<compile_context>
chip_gen: v7x
topology: tpu7x:2x2x1
jax: 0.10.2.dev20260603
libtpu: 0.0.44.dev20260713+nightly
codegen_flags: <defaults>
</compile_context>

<pallas_src>
import functools

import jax
import jax.numpy as jnp
import numpy as np
from jax import lax
from jax.experimental import pallas as pl
from jax.experimental.pallas import tpu as pltpu
from jax.experimental.pallas import tpu_sc as plsc

_B = 4096
_L = 50
_LP = 56
_D = 128
_H1 = 256
_H2 = 128
_NCLS = 50
_EPS = 1e-5

_NC = 2
_NS = 16
_NW = _NC * _NS
_EPW = _B // _NW
_PAIRS = _EPW // 2
_PW = 2 * _LP
_LANES = 16
_VPR = _D // _LANES


_NBUF = 6
_CH = 128
_PPT = _B * _L // _NW
_NCHUNK = _PPT // _CH
_BH = _B // _NC


def _sc_pool_body(tok_hbm, dst_hbm, emb_hbm, out_hbm,
                  tok_v, dst_v, rows, pooled_sp, *sems):
    c = lax.axis_index("c")
    s = lax.axis_index("s")
    w = c * _NS + s

    gsems = sems[:_NBUF]
    ssems = sems[_NBUF:]

    pltpu.sync_copy(tok_hbm.at[w], tok_v)

    def fire(k, b):
        pltpu.make_async_copy(
            emb_hbm.at[tok_v.at[k]], rows.at[b], gsems[b]
        ).start()

    def wait_gather(b):
        pltpu.make_async_copy(
            emb_hbm.at[pl.ds(0, _CH)], rows.at[b], gsems[b]
        ).wait()

    def scatter_start(k, b):
        pltpu.make_async_copy(
            rows.at[b], pooled_sp.at[dst_v.at[k]], ssems[b]
        ).start(add=True)

    def wait_scatter(b):
        pltpu.make_async_copy(
            rows.at[b], pooled_sp.at[dst_v.at[0]], ssems[b]
        ).wait()

    pltpu.sync_copy(dst_hbm.at[w], dst_v)

    zrows = _BH // _NS

    def _zero(r, carry):
        for v in range(_VPR):
            rows[0, r, pl.ds(v * _LANES, _LANES)] = jnp.zeros(
                (_LANES,), jnp.float32)
        return carry

    lax.fori_loop(0, zrows, _zero, 0)
    pltpu.sync_copy(rows.at[0, pl.ds(0, zrows)],
                    pooled_sp.at[pl.ds(s * zrows, zrows)])

    for b in range(_NBUF):
        fire(b, b)

    def step(j, carry):
        k0 = j * _NBUF
        for b in range(_NBUF):
            k = k0 + b
            bprev = (b - 1) % _NBUF

            @pl.when(k < _NCHUNK)
            def _():
                wait_gather(b)
                scatter_start(k, b)

                @pl.when((k >= 1) & (k - 1 + _NBUF < _NCHUNK))
                def _():
                    wait_scatter(bprev)
                    fire(k - 1 + _NBUF, bprev)
        return carry

    lax.fori_loop(0, (_NCHUNK + _NBUF - 1) // _NBUF, step, 0)

    for b in range(_NBUF):
        wait_scatter(b)
    pltpu.sync_copy(pooled_sp.at[pl.ds(s * zrows, zrows)],
                    out_hbm.at[pl.ds(c * _BH + s * zrows, zrows)])


_sc_pool = functools.partial(
    pl.kernel,
    out_type=jax.ShapeDtypeStruct((_B, _D), jnp.float32),
    mesh=plsc.VectorSubcoreMesh(core_axis_name="c", subcore_axis_name="s"),
    scratch_types=[
        pltpu.VMEM((_NCHUNK, _CH), jnp.int32),
        pltpu.VMEM((_NCHUNK, _CH), jnp.int32),
        pltpu.VMEM((_NBUF, _CH, _D), jnp.float32),
        pltpu.VMEM_SHARED((_BH, _D), jnp.float32),
    ] + [pltpu.SemaphoreType.DMA] * (2 * _NBUF),
)(_sc_pool_body)

_DST3 = np.repeat(np.arange(_B, dtype=np.int32) % _BH,
                  _L).reshape(_NW, _NCHUNK, _CH)


def _mlp_body(ps, w1, b1, g1, be1, w2, b2, g2, be2, wout, bout, out):
    x = ps[...] * (1.0 / _L)

    h = lax.dot_general(x, w1[...], (((1,), (1,)), ((), ())),
                        preferred_element_type=jnp.float32) + b1[...]
    mu = jnp.mean(h, axis=0, keepdims=True)
    d = h - mu
    var = jnp.mean(d * d, axis=0, keepdims=True)
    h = g1[...] * d / jnp.sqrt(var + _EPS) + be1[...]
    h = jnp.maximum(h, 0.0)

    h = lax.dot_general(h, w2[...], (((1,), (1,)), ((), ())),
                        preferred_element_type=jnp.float32) + b2[...]
    mu = jnp.mean(h, axis=0, keepdims=True)
    d = h - mu
    var = jnp.mean(d * d, axis=0, keepdims=True)
    h = g2[...] * d / jnp.sqrt(var + _EPS) + be2[...]
    h = jnp.maximum(h, 0.0)

    out[...] = lax.dot_general(h, wout[...], (((1,), (1,)), ((), ())),
                               preferred_element_type=jnp.float32) + bout[...]


_mlp = pl.pallas_call(
    _mlp_body,
    out_shape=jax.ShapeDtypeStruct((_B, _NCLS), jnp.float32),
)


def kernel(token_ids, emb, W1, b1, g1, be1, W2, b2, g2, be2, Wout, bout):
    tok3 = token_ids.astype(jnp.int32).reshape(_NW, _NCHUNK, _CH)
    pooled_sum = _sc_pool(tok3, _DST3, emb)
    return _mlp(
        pooled_sum,
        W1, b1.reshape(1, -1), g1.reshape(1, -1), be1.reshape(1, -1),
        W2, b2.reshape(1, -1), g2.reshape(1, -1), be2.reshape(1, -1),
        Wout, bout.reshape(1, -1),
    )

# --- scband reference (transcript-rebuilt; emitter-appended) ---
"""Pipeline reference for scband-math-problem-classifier-89687507075197 (READ-ONLY COPY).

The authoritative reference and input builder live on the scoring server;
editing this copy changes nothing except your own understanding.
"""

import jax, jax.numpy as jnp
import numpy as np

VOCAB = 100000
EMB = 128
H1 = 256
H2 = 128
NCLS = 50
B = 4096
L = 50
EPS = 1e-5

def setup_inputs(seed: int = 0) -> dict:
    key = jax.random.key(seed)
    ks = jax.random.split(key, 12)
    token_ids = jax.random.randint(ks[0], (B, L), 0, VOCAB)
    emb = jax.random.normal(ks[1], (VOCAB, EMB), dtype=jnp.float32)
    emb = emb.at[0].set(0.0)  # padding_idx=0
    W1 = jax.random.normal(ks[2], (H1, EMB), dtype=jnp.float32) * (1.0 / np.sqrt(EMB))
    b1 = jnp.zeros((H1,), dtype=jnp.float32)
    g1 = jnp.ones((H1,), dtype=jnp.float32)
    be1 = jnp.zeros((H1,), dtype=jnp.float32)
    W2 = jax.random.normal(ks[3], (H2, H1), dtype=jnp.float32) * (1.0 / np.sqrt(H1))
    b2 = jnp.zeros((H2,), dtype=jnp.float32)
    g2 = jnp.ones((H2,), dtype=jnp.float32)
    be2 = jnp.zeros((H2,), dtype=jnp.float32)
    Wout = jax.random.normal(ks[4], (NCLS, H2), dtype=jnp.float32) * (1.0 / np.sqrt(H2))
    bout = jnp.zeros((NCLS,), dtype=jnp.float32)
    return {"token_ids": token_ids, "emb": emb, "W1": W1, "b1": b1, "g1": g1, "be1": be1,
            "W2": W2, "b2": b2, "g2": g2, "be2": be2, "Wout": Wout, "bout": bout}

def _batchnorm(x, gamma, beta):
    mu = jnp.mean(x, axis=0, keepdims=True)
    var = jnp.mean((x - mu) ** 2, axis=0, keepdims=True)  # biased, torch training-mode
    return gamma * (x - mu) / jnp.sqrt(var + EPS) + beta

def reference(token_ids, emb, W1, b1, g1, be1, W2, b2, g2, be2, Wout, bout):
    emb0 = emb.at[0].set(0.0)  # padding row stays zero
    embedded = jnp.take(emb0, token_ids, axis=0)      # [B, L, EMB] gather
    pooled = jnp.mean(embedded, axis=1)               # [B, EMB]
    h = pooled @ W1.T + b1
    h = _batchnorm(h, g1, be1)
    h = jax.nn.relu(h)
    h = h @ W2.T + b2
    h = _batchnorm(h, g2, be2)
    h = jax.nn.relu(h)
    logits = h @ Wout.T + bout                        # [B, NCLS]
    return logits

if __name__ == "__main__":
    import jax
    _d = setup_inputs()
    print(jax.jit(kernel)(*tuple(_d.values())))

</pallas_src>

<mosaic_0001>
#map = affine_map<(d0, d1) -> (0, 0, 0)>
#map1 = affine_map<(d0, d1) -> (0, 0)>
module attributes {stable_mosaic.version = 14 : i64} {
  func.func @_sc_pool_body(%arg0: i32, %arg1: i32, %arg2: memref<32x50x128xi32, #tpu.memory_space<hbm>>, %arg3: memref<32x50x128xi32, #tpu.memory_space<hbm>>, %arg4: memref<100000x128xf32, #tpu.memory_space<hbm>>, %arg5: memref<4096x128xf32, #tpu.memory_space<hbm>>, %arg6: memref<50x128xi32, #tpu.memory_space<vmem>>, %arg7: memref<50x128xi32, #tpu.memory_space<vmem>>, %arg8: memref<6x128x128xf32, #tpu.memory_space<vmem>>, %arg9: memref<2048x128xf32, #tpu.memory_space<vmem_shared>>, %arg10: memref<!tpu.dma_semaphore, #tpu.memory_space<semaphore_mem>>, %arg11: memref<!tpu.dma_semaphore, #tpu.memory_space<semaphore_mem>>, %arg12: memref<!tpu.dma_semaphore, #tpu.memory_space<semaphore_mem>>, %arg13: memref<!tpu.dma_semaphore, #tpu.memory_space<semaphore_mem>>, %arg14: memref<!tpu.dma_semaphore, #tpu.memory_space<semaphore_mem>>, %arg15: memref<!tpu.dma_semaphore, #tpu.memory_space<semaphore_mem>>, %arg16: memref<!tpu.dma_semaphore, #tpu.memory_space<semaphore_mem>>, %arg17: memref<!tpu.dma_semaphore, #tpu.memory_space<semaphore_mem>>, %arg18: memref<!tpu.dma_semaphore, #tpu.memory_space<semaphore_mem>>, %arg19: memref<!tpu.dma_semaphore, #tpu.memory_space<semaphore_mem>>, %arg20: memref<!tpu.dma_semaphore, #tpu.memory_space<semaphore_mem>>, %arg21: memref<!tpu.dma_semaphore, #tpu.memory_space<semaphore_mem>>) attributes {dimension_semantics = [#tpu.dimension_semantics<core_parallel>, #tpu.dimension_semantics<subcore_parallel>], iteration_bounds = array<i64: 2, 16>, scalar_prefetch = 0 : i64, scratch_operands = 16 : i64, tpu.core_type = #tpu.core_type<sc_vector_subcore>, window_params = [{transform_indices = #map}, {transform_indices = #map}, {transform_indices = #map1}, {transform_indices = #map1}]} {
    %mul3A = arith.constant 16 : i32
    %mul3A_0 = arith.muli %arg0, %mul3A : i32
    %add3A = arith.addi %mul3A_0, %arg1 : i32
    "tpu.region"() ({
      %run_scoped3A_163 = tpu.sem_alloc : memref<!tpu.dma_semaphore, #tpu.memory_space<semaphore_mem>>
      %dma_start3A_164 = arith.constant 0 : i32
      %dma_start3A_165 = arith.constant 0 : i32
      %dma_start3A_166 = tpu.memref_slice %arg2[%add3A, %dma_start3A_164, %dma_start3A_165] : memref<32x50x128xi32, #tpu.memory_space<hbm>> -> memref<1x50x128xi32, #tpu.memory_space<hbm>>
      %dma_start3A_167 = tpu.memref_squeeze %dma_start3A_166 : memref<1x50x128xi32, #tpu.memory_space<hbm>> -> memref<50x128xi32, #tpu.memory_space<hbm>>
      %dma_start3A_168 = arith.constant 0 : i32
      %dma_start3A_169 = arith.constant 0 : i32
      %dma_start3A_170 = tpu.memref_slice %arg2[%add3A, %dma_start3A_168, %dma_start3A_169] : memref<32x50x128xi32, #tpu.memory_space<hbm>> -> memref<1x50x128xi32, #tpu.memory_space<hbm>>
      %dma_start3A_171 = tpu.memref_squeeze %dma_start3A_170 : memref<1x50x128xi32, #tpu.memory_space<hbm>> -> memref<50x128xi32, #tpu.memory_space<hbm>>
      tpu.enqueue_dma source(%dma_start3A_171 : memref<50x128xi32, #tpu.memory_space<hbm>>) target(%arg6 : memref<50x128xi32, #tpu.memory_space<vmem>>) target_semaphore(%run_scoped3A_163 : memref<!tpu.dma_semaphore, #tpu.memory_space<semaphore_mem>>)
      %dma_wait3A_172 = arith.constant 0 : i32
      %dma_wait3A_173 = arith.constant 0 : i32
      %dma_wait3A_174 = tpu.memref_slice %arg2[%add3A, %dma_wait3A_172, %dma_wait3A_173] : memref<32x50x128xi32, #tpu.memory_space<hbm>> -> memref<1x50x128xi32, #tpu.memory_space<hbm>>
      %dma_wait3A_175 = tpu.memref_squeeze %dma_wait3A_174 : memref<1x50x128xi32, #tpu.memory_space<hbm>> -> memref<50x128xi32, #tpu.memory_space<hbm>>
      %dma_wait3A_176 = arith.constant 0 : i32
      %dma_wait3A_177 = arith.constant 0 : i32
      %dma_wait3A_178 = tpu.memref_slice %arg2[%add3A, %dma_wait3A_176, %dma_wait3A_177] : memref<32x50x128xi32, #tpu.memory_space<hbm>> -> memref<1x50x128xi32, #tpu.memory_space<hbm>>
      %dma_wait3A_179 = tpu.memref_squeeze %dma_wait3A_178 : memref<1x50x128xi32, #tpu.memory_space<hbm>> -> memref<50x128xi32, #tpu.memory_space<hbm>>
      tpu.wait_dma2 semaphore(%run_scoped3A_163 : memref<!tpu.dma_semaphore, #tpu.memory_space<semaphore_mem>>) src(%dma_wait3A_179 : memref<50x128xi32, #tpu.memory_space<hbm>>) dst(%arg6 : memref<50x128xi32, #tpu.memory_space<vmem>>)
      tpu.yield
    }) : () -> ()
    "tpu.region"() ({
      %run_scoped3A_163 = tpu.sem_alloc : memref<!tpu.dma_semaphore, #tpu.memory_space<semaphore_mem>>
      %dma_start3A_164 = arith.constant 0 : i32
      %dma_start3A_165 = arith.constant 0 : i32
      %dma_start3A_166 = tpu.memref_slice %arg3[%add3A, %dma_start3A_164, %dma_start3A_165] : memref<32x50x128xi32, #tpu.memory_space<hbm>> -> memref<1x50x128xi32, #tpu.memory_space<hbm>>
      %dma_start3A_167 = tpu.memref_squeeze %dma_start3A_166 : memref<1x50x128xi32, #tpu.memory_space<hbm>> -> memref<50x128xi32, #tpu.memory_space<hbm>>
      %dma_start3A_168 = arith.constant 0 : i32
      %dma_start3A_169 = arith.constant 0 : i32
      %dma_start3A_170 = tpu.memref_slice %arg3[%add3A, %dma_start3A_168, %dma_start3A_169] : memref<32x50x128xi32, #tpu.memory_space<hbm>> -> memref<1x50x128xi32, #tpu.memory_space<hbm>>
      %dma_start3A_171 = tpu.memref_squeeze %dma_start3A_170 : memref<1x50x128xi32, #tpu.memory_space<hbm>> -> memref<50x128xi32, #tpu.memory_space<hbm>>
      tpu.enqueue_dma source(%dma_start3A_171 : memref<50x128xi32, #tpu.memory_space<hbm>>) target(%arg7 : memref<50x128xi32, #tpu.memory_space<vmem>>) target_semaphore(%run_scoped3A_163 : memref<!tpu.dma_semaphore, #tpu.memory_space<semaphore_mem>>)
      %dma_wait3A_172 = arith.constant 0 : i32
      %dma_wait3A_173 = arith.constant 0 : i32
      %dma_wait3A_174 = tpu.memref_slice %arg3[%add3A, %dma_wait3A_172, %dma_wait3A_173] : memref<32x50x128xi32, #tpu.memory_space<hbm>> -> memref<1x50x128xi32, #tpu.memory_space<hbm>>
      %dma_wait3A_175 = tpu.memref_squeeze %dma_wait3A_174 : memref<1x50x128xi32, #tpu.memory_space<hbm>> -> memref<50x128xi32, #tpu.memory_space<hbm>>
      %dma_wait3A_176 = arith.constant 0 : i32
      %dma_wait3A_177 = arith.constant 0 : i32
      %dma_wait3A_178 = tpu.memref_slice %arg3[%add3A, %dma_wait3A_176, %dma_wait3A_177] : memref<32x50x128xi32, #tpu.memory_space<hbm>> -> memref<1x50x128xi32, #tpu.memory_space<hbm>>
      %dma_wait3A_179 = tpu.memref_squeeze %dma_wait3A_178 : memref<1x50x128xi32, #tpu.memory_space<hbm>> -> memref<50x128xi32, #tpu.memory_space<hbm>>
      tpu.wait_dma2 semaphore(%run_scoped3A_163 : memref<!tpu.dma_semaphore, #tpu.memory_space<semaphore_mem>>) src(%dma_wait3A_179 : memref<50x128xi32, #tpu.memory_space<hbm>>) dst(%arg7 : memref<50x128xi32, #tpu.memory_space<vmem>>)
      tpu.yield
    }) : () -> ()
    %scan3A = arith.constant 0 : i32
    %scan3A_1 = arith.constant 0 : i32
    %scan3A_2 = arith.constant 128 : i32
    %scan3A_3 = arith.addi %scan3A_1, %scan3A_2 : i32
    %scan3A_4 = arith.constant 1 : i32
    scf.for %scan3A_163 = %scan3A_1 to %scan3A_3 step %scan3A_4  : i32 {
      %broadcast_in_dim3A = arith.constant 0.000000e+00 : f32
      %broadcast_in_dim3A_164 = vector.broadcast %broadcast_in_dim3A : f32 to vector<16xf32>
      %swap3A = arith.constant 0 : i32
      %swap3A_165 = arith.index_cast %swap3A : i32 to index
      %swap3A_166 = arith.index_cast %scan3A_163 : i32 to index
      %swap3A_167 = arith.constant 0 : index
      %swap3A_168 = tpu.vector_load %arg8[%swap3A_165, %swap3A_166, %swap3A_167] {strides = array<i32>} : memref<6x128x128xf32, #tpu.memory_space<vmem>>, vector<1x1x16xf32>,
      %swap3A_169 = vector.shape_cast %swap3A_168 : vector<1x1x16xf32> to vector<16xf32>
      %swap3A_170 = vector.shape_cast %broadcast_in_dim3A_164 : vector<16xf32> to vector<1x1x16xf32>
      tpu.vector_store %arg8[%swap3A_165, %swap3A_166, %swap3A_167], %swap3A_170 {strides = array<i32>} : memref<6x128x128xf32, #tpu.memory_space<vmem>>, vector<1x1x16xf32>,
      %broadcast_in_dim3A_171 = arith.constant 0.000000e+00 : f32
      %broadcast_in_dim3A_172 = vector.broadcast %broadcast_in_dim3A_171 : f32 to vector<16xf32>
      %swap3A_173 = arith.constant 0 : i32
      %swap3A_174 = arith.index_cast %swap3A_173 : i32 to index
      %swap3A_175 = arith.index_cast %scan3A_163 : i32 to index
      %swap3A_176 = arith.constant 16 : index
      %swap3A_177 = tpu.vector_load %arg8[%swap3A_174, %swap3A_175, %swap3A_176] {strides = array<i32>} : memref<6x128x128xf32, #tpu.memory_space<vmem>>, vector<1x1x16xf32>,
      %swap3A_178 = vector.shape_cast %swap3A_177 : vector<1x1x16xf32> to vector<16xf32>
      %swap3A_179 = vector.shape_cast %broadcast_in_dim3A_172 : vector<16xf32> to vector<1x1x16xf32>
      tpu.vector_store %arg8[%swap3A_174, %swap3A_175, %swap3A_176], %swap3A_179 {strides = array<i32>} : memref<6x128x128xf32, #tpu.memory_space<vmem>>, vector<1x1x16xf32>,
      %broadcast_in_dim3A_180 = arith.constant 0.000000e+00 : f32
      %broadcast_in_dim3A_181 = vector.broadcast %broadcast_in_dim3A_180 : f32 to vector<16xf32>
      %swap3A_182 = arith.constant 0 : i32
      %swap3A_183 = arith.index_cast %swap3A_182 : i32 to index
      %swap3A_184 = arith.index_cast %scan3A_163 : i32 to index
      %swap3A_185 = arith.constant 32 : index
      %swap3A_186 = tpu.vector_load %arg8[%swap3A_183, %swap3A_184, %swap3A_185] {strides = array<i32>} : memref<6x128x128xf32, #tpu.memory_space<vmem>>, vector<1x1x16xf32>,
      %swap3A_187 = vector.shape_cast %swap3A_186 : vector<1x1x16xf32> to vector<16xf32>
      %swap3A_188 = vector.shape_cast %broadcast_in_dim3A_181 : vector<16xf32> to vector<1x1x16xf32>
      tpu.vector_store %arg8[%swap3A_183, %swap3A_184, %swap3A_185], %swap3A_188 {strides = array<i32>} : memref<6x128x128xf32, #tpu.memory_space<vmem>>, vector<1x1x16xf32>,
      %broadcast_in_dim3A_189 = arith.constant 0.000000e+00 : f32
      %broadcast_in_dim3A_190 = vector.broadcast %broadcast_in_dim3A_189 : f32 to vector<16xf32>
      %swap3A_191 = arith.constant 0 : i32
      %swap3A_192 = arith.index_cast %swap3A_191 : i32 to index
      %swap3A_193 = arith.index_cast %scan3A_163 : i32 to index
      %swap3A_194 = arith.constant 48 : index
      %swap3A_195 = tpu.vector_load %arg8[%swap3A_192, %swap3A_193, %swap3A_194] {strides = array<i32>} : memref<6x128x128xf32, #tpu.memory_space<vmem>>, vector<1x1x16xf32>,
      %swap3A_196 = vector.shape_cast %swap3A_195 : vector<1x1x16xf32> to vector<16xf32>
      %swap3A_197 = vector.shape_cast %broadcast_in_dim3A_190 : vector<16xf32> to vector<1x1x16xf32>
      tpu.vector_store %arg8[%swap3A_192, %swap3A_193, %swap3A_194], %swap3A_197 {strides = array<i32>} : memref<6x128x128xf32, #tpu.memory_space<vmem>>, vector<1x1x16xf32>,
      %broadcast_in_dim3A_198 = arith.constant 0.000000e+00 : f32
      %broadcast_in_dim3A_199 = vector.broadcast %broadcast_in_dim3A_198 : f32 to vector<16xf32>
      %swap3A_200 = arith.constant 0 : i32
      %swap3A_201 = arith.index_cast %swap3A_200 : i32 to index
      %swap3A_202 = arith.index_cast %scan3A_163 : i32 to index
      %swap3A_203 = arith.constant 64 : index
      %swap3A_204 = tpu.vector_load %arg8[%swap3A_201, %swap3A_202, %swap3A_203] {strides = array<i32>} : memref<6x128x128xf32, #tpu.memory_space<vmem>>, vector<1x1x16xf32>,
      %swap3A_205 = vector.shape_cast %swap3A_204 : vector<1x1x16xf32> to vector<16xf32>
      %swap3A_206 = vector.shape_cast %broadcast_in_dim3A_199 : vector<16xf32> to vector<1x1x16xf32>
      tpu.vector_store %arg8[%swap3A_201, %swap3A_202, %swap3A_203], %swap3A_206 {strides = array<i32>} : memref<6x128x128xf32, #tpu.memory_space<vmem>>, vector<1x1x16xf32>,
      %broadcast_in_dim3A_207 = arith.constant 0.000000e+00 : f32
      %broadcast_in_dim3A_208 = vector.broadcast %broadcast_in_dim3A_207 : f32 to vector<16xf32>
      %swap3A_209 = arith.constant 0 : i32
      %swap3A_210 = arith.index_cast %swap3A_209 : i32 to index
      %swap3A_211 = arith.index_cast %scan3A_163 : i32 to index
      %swap3A_212 = arith.constant 80 : index
      %swap3A_213 = tpu.vector_load %arg8[%swap3A_210, %swap3A_211, %swap3A_212] {strides = array<i32>} : memref<6x128x128xf32, #tpu.memory_space<vmem>>, vector<1x1x16xf32>,
      %swap3A_214 = vector.shape_cast %swap3A_213 : vector<1x1x16xf32> to vector<16xf32>
      %swap3A_215 = vector.shape_cast %broadcast_in_dim3A_208 : vector<16xf32> to vector<1x1x16xf32>
      tpu.vector_store %arg8[%swap3A_210, %swap3A_211, %swap3A_212], %swap3A_215 {strides = array<i32>} : memref<6x128x128xf32, #tpu.memory_space<vmem>>, vector<1x1x16xf32>,
      %broadcast_in_dim3A_216 = arith.constant 0.000000e+00 : f32
      %broadcast_in_dim3A_217 = vector.broadcast %broadcast_in_dim3A_216 : f32 to vector<16xf32>
      %swap3A_218 = arith.constant 0 : i32
      %swap3A_219 = arith.index_cast %swap3A_218 : i32 to index
      %swap3A_220 = arith.index_cast %scan3A_163 : i32 to index
      %swap3A_221 = arith.constant 96 : index
      %swap3A_222 = tpu.vector_load %arg8[%swap3A_219, %swap3A_220, %swap3A_221] {strides = array<i32>} : memref<6x128x128xf32, #tpu.memory_space<vmem>>, vector<1x1x16xf32>,
      %swap3A_223 = vector.shape_cast %swap3A_222 : vector<1x1x16xf32> to vector<16xf32>
      %swap3A_224 = vector.shape_cast %broadcast_in_dim3A_217 : vector<16xf32> to vector<1x1x16xf32>
      tpu.vector_store %arg8[%swap3A_219, %swap3A_220, %swap3A_221], %swap3A_224 {strides = array<i32>} : memref<6x128x128xf32, #tpu.memory_space<vmem>>, vector<1x1x16xf32>,
      %broadcast_in_dim3A_225 = arith.constant 0.000000e+00 : f32
      %broadcast_in_dim3A_226 = vector.broadcast %broadcast_in_dim3A_225 : f32 to vector<16xf32>
      %swap3A_227 = arith.constant 0 : i32
      %swap3A_228 = arith.index_cast %swap3A_227 : i32 to index
      %swap3A_229 = arith.index_cast %scan3A_163 : i32 to index
      %swap3A_230 = arith.constant 112 : index
      %swap3A_231 = tpu.vector_load %arg8[%swap3A_228, %swap3A_229, %swap3A_230] {strides = array<i32>} : memref<6x128x128xf32, #tpu.memory_space<vmem>>, vector<1x1x16xf32>,
      %swap3A_232 = vector.shape_cast %swap3A_231 : vector<1x1x16xf32> to vector<16xf32>
      %swap3A_233 = vector.shape_cast %broadcast_in_dim3A_226 : vector<16xf32> to vector<1x1x16xf32>
      tpu.vector_store %arg8[%swap3A_228, %swap3A_229, %swap3A_230], %swap3A_233 {strides = array<i32>} : memref<6x128x128xf32, #tpu.memory_space<vmem>>, vector<1x1x16xf32>,
    }
    %scan3A_5 = arith.constant 128 : i32
    %mul3A_6 = arith.constant 128 : i32
    %mul3A_7 = arith.muli %arg1, %mul3A_6 : i32
    %run_scoped3A = arith.constant 0 : i32
    "tpu.region"() ({
      %run_scoped3A_163 = tpu.sem_alloc : memref<!tpu.dma_semaphore, #tpu.memory_space<semaphore_mem>>
      %dma_start3A_164 = arith.constant 0 : i32
      %dma_start3A_165 = arith.constant 0 : i32
      %dma_start3A_166 = tpu.memref_slice %arg8[%run_scoped3A, %dma_start3A_164, %dma_start3A_165] : memref<6x128x128xf32, #tpu.memory_space<vmem>> -> memref<1x128x128xf32, #tpu.memory_space<vmem>>
      %dma_start3A_167 = tpu.memref_squeeze %dma_start3A_166 : memref<1x128x128xf32, #tpu.memory_space<vmem>> -> memref<128x128xf32, #tpu.memory_space<vmem>>
      %dma_start3A_168 = arith.constant 0 : i32
      %dma_start3A_169 = tpu.memref_slice %arg9[%mul3A_7, %dma_start3A_168] : memref<2048x128xf32, #tpu.memory_space<vmem_shared>> -> memref<128x128xf32, #tpu.memory_space<vmem_shared>>
      %dma_start3A_170 = arith.constant 0 : i32
      %dma_start3A_171 = tpu.memref_slice %arg9[%mul3A_7, %dma_start3A_170] : memref<2048x128xf32, #tpu.memory_space<vmem_shared>> -> memref<128x128xf32, #tpu.memory_space<vmem_shared>>
      %dma_start3A_172 = arith.constant 0 : i32
      %dma_start3A_173 = arith.constant 0 : i32
      %dma_start3A_174 = tpu.memref_slice %arg8[%run_scoped3A, %dma_start3A_172, %dma_start3A_173] : memref<6x128x128xf32, #tpu.memory_space<vmem>> -> memref<1x128x128xf32, #tpu.memory_space<vmem>>
      %dma_start3A_175 = tpu.memref_squeeze %dma_start3A_174 : memref<1x128x128xf32, #tpu.memory_space<vmem>> -> memref<128x128xf32, #tpu.memory_space<vmem>>
      tpu.enqueue_dma source(%dma_start3A_175 : memref<128x128xf32, #tpu.memory_space<vmem>>) target(%dma_start3A_171 : memref<128x128xf32, #tpu.memory_space<vmem_shared>>) target_semaphore(%run_scoped3A_163 : memref<!tpu.dma_semaphore, #tpu.memory_space<semaphore_mem>>)
      %dma_wait3A_176 = arith.constant 0 : i32
      %dma_wait3A_177 = arith.constant 0 : i32
      %dma_wait3A_178 = tpu.memref_slice %arg8[%run_scoped3A, %dma_wait3A_176, %dma_wait3A_177] : memref<6x128x128xf32, #tpu.memory_space<vmem>> -> memref<1x128x128xf32, #tpu.memory_space<vmem>>
      %dma_wait3A_179 = tpu.memref_squeeze %dma_wait3A_178 : memref<1x128x128xf32, #tpu.memory_space<vmem>> -> memref<128x128xf32, #tpu.memory_space<vmem>>
      %dma_wait3A_180 = arith.constant 0 : i32
      %dma_wait3A_181 = tpu.memref_slice %arg9[%mul3A_7, %dma_wait3A_180] : memref<2048x128xf32, #tpu.memory_space<vmem_shared>> -> memref<128x128xf32, #tpu.memory_space<vmem_shared>>
      %dma_wait3A_182 = arith.constant 0 : i32
      %dma_wait3A_183 = tpu.memref_slice %arg9[%mul3A_7, %dma_wait3A_182] : memref<2048x128xf32, #tpu.memory_space<vmem_shared>> -> memref<128x128xf32, #tpu.memory_space<vmem_shared>>
      %dma_wait3A_184 = arith.constant 0 : i32
      %dma_wait3A_185 = arith.constant 0 : i32
      %dma_wait3A_186 = tpu.memref_slice %arg8[%run_scoped3A, %dma_wait3A_184, %dma_wait3A_185] : memref<6x128x128xf32, #tpu.memory_space<vmem>> -> memref<1x128x128xf32, #tpu.memory_space<vmem>>
      %dma_wait3A_187 = tpu.memref_squeeze %dma_wait3A_186 : memref<1x128x128xf32, #tpu.memory_space<vmem>> -> memref<128x128xf32, #tpu.memory_space<vmem>>
      tpu.wait_dma2 semaphore(%run_scoped3A_163 : memref<!tpu.dma_semaphore, #tpu.memory_space<semaphore_mem>>) src(%dma_wait3A_187 : memref<128x128xf32, #tpu.memory_space<vmem>>) dst(%dma_wait3A_183 : memref<128x128xf32, #tpu.memory_space<vmem_shared>>)
      tpu.yield
    }) : () -> ()
    %dma_start3A = arith.constant 0 : i32
    %dma_start3A_8 = arith.constant 0 : i32
    %dma_start3A_9 = arith.constant 0 : i32
    %dma_start3A_10 = arith.constant 0 : i32
    %dma_start3A_11 = tpu.memref_slice %arg8[%dma_start3A_8, %dma_start3A_9, %dma_start3A_10] : memref<6x128x128xf32, #tpu.memory_space<vmem>> -> memref<1x128x128xf32, #tpu.memory_space<vmem>>
    %dma_start3A_12 = tpu.memref_squeeze %dma_start3A_11 : memref<1x128x128xf32, #tpu.memory_space<vmem>> -> memref<128x128xf32, #tpu.memory_space<vmem>>
    %dma_start3A_13 = arith.constant 0 : i32
    %dma_start3A_14 = tpu.memref_slice %arg6[%dma_start3A, %dma_start3A_13] : memref<50x128xi32, #tpu.memory_space<vmem>> -> memref<1x128xi32, #tpu.memory_space<vmem>>
    %dma_start3A_15 = tpu.memref_squeeze %dma_start3A_14 : memref<1x128xi32, #tpu.memory_space<vmem>> -> memref<128xi32, #tpu.memory_space<vmem>>
    %dma_start3A_16 = arith.constant 0 : i32
    %dma_start3A_17 = arith.constant 0 : i32
    %dma_start3A_18 = tpu.memref_slice %arg4[%dma_start3A_16, %dma_start3A_17] : memref<100000x128xf32, #tpu.memory_space<hbm>> -> memref<100000x128xf32, #tpu.memory_space<hbm>>
    tpu.enqueue_indirect_dma source(%dma_start3A_18 : memref<100000x128xf32, #tpu.memory_space<hbm>>) target(%dma_start3A_12 : memref<128x128xf32, #tpu.memory_space<vmem>>) offsets(%dma_start3A_15 : memref<128xi32, #tpu.memory_space<vmem>>) semaphore(%arg10 : memref<!tpu.dma_semaphore, #tpu.memory_space<semaphore_mem>>)
    %dma_start3A_19 = arith.constant 1 : i32
    %dma_start3A_20 = arith.constant 1 : i32
    %dma_start3A_21 = arith.constant 0 : i32
    %dma_start3A_22 = arith.constant 0 : i32
    %dma_start3A_23 = tpu.memref_slice %arg8[%dma_start3A_20, %dma_start3A_21, %dma_start3A_22] : memref<6x128x128xf32, #tpu.memory_space<vmem>> -> memref<1x128x128xf32, #tpu.memory_space<vmem>>
    %dma_start3A_24 = tpu.memref_squeeze %dma_start3A_23 : memref<1x128x128xf32, #tpu.memory_space<vmem>> -> memref<128x128xf32, #tpu.memory_space<vmem>>
    %dma_start3A_25 = arith.constant 0 : i32
    %dma_start3A_26 = tpu.memref_slice %arg6[%dma_start3A_19, %dma_start3A_25] : memref<50x128xi32, #tpu.memory_space<vmem>> -> memref<1x128xi32, #tpu.memory_space<vmem>>
    %dma_start3A_27 = tpu.memref_squeeze %dma_start3A_26 : memref<1x128xi32, #tpu.memory_space<vmem>> -> memref<128xi32, #tpu.memory_space<vmem>>
    %dma_start3A_28 = arith.constant 0 : i32
    %dma_start3A_29 = arith.constant 0 : i32
    %dma_start3A_30 = tpu.memref_slice %arg4[%dma_start3A_28, %dma_start3A_29] : memref<100000x128xf32, #tpu.memory_space<hbm>> -> memref<100000x128xf32, #tpu.memory_space<hbm>>
    tpu.enqueue_indirect_dma source(%dma_start3A_30 : memref<100000x128xf32, #tpu.memory_space<hbm>>) target(%dma_start3A_24 : memref<128x128xf32, #tpu.memory_space<vmem>>) offsets(%dma_start3A_27 : memref<128xi32, #tpu.memory_space<vmem>>) semaphore(%arg11 : memref<!tpu.dma_semaphore, #tpu.memory_space<semaphore_mem>>)
    %dma_start3A_31 = arith.constant 2 : i32
    %dma_start3A_32 = arith.constant 2 : i32
    %dma_start3A_33 = arith.constant 0 : i32
    %dma_start3A_34 = arith.constant 0 : i32
    %dma_start3A_35 = tpu.memref_slice %arg8[%dma_start3A_32, %dma_start3A_33, %dma_start3A_34] : memref<6x128x128xf32, #tpu.memory_space<vmem>> -> memref<1x128x128xf32, #tpu.memory_space<vmem>>
    %dma_start3A_36 = tpu.memref_squeeze %dma_start3A_35 : memref<1x128x128xf32, #tpu.memory_space<vmem>> -> memref<128x128xf32, #tpu.memory_space<vmem>>
    %dma_start3A_37 = arith.constant 0 : i32
    %dma_start3A_38 = tpu.memref_slice %arg6[%dma_start3A_31, %dma_start3A_37] : memref<50x128xi32, #tpu.memory_space<vmem>> -> memref<1x128xi32, #tpu.memory_space<vmem>>
    %dma_start3A_39 = tpu.memref_squeeze %dma_start3A_38 : memref<1x128xi32, #tpu.memory_space<vmem>> -> memref<128xi32, #tpu.memory_space<vmem>>
    %dma_start3A_40 = arith.constant 0 : i32
    %dma_start3A_41 = arith.constant 0 : i32
    %dma_start3A_42 = tpu.memref_slice %arg4[%dma_start3A_40, %dma_start3A_41] : memref<100000x128xf32, #tpu.memory_space<hbm>> -> memref<100000x128xf32, #tpu.memory_space<hbm>>
    tpu.enqueue_indirect_dma source(%dma_start3A_42 : memref<100000x128xf32, #tpu.memory_space<hbm>>) target(%dma_start3A_36 : memref<128x128xf32, #tpu.memory_space<vmem>>) offsets(%dma_start3A_39 : memref<128xi32, #tpu.memory_space<vmem>>) semaphore(%arg12 : memref<!tpu.dma_semaphore, #tpu.memory_space<semaphore_mem>>)
    %dma_start3A_43 = arith.constant 3 : i32
    %dma_start3A_44 = arith.constant 3 : i32
    %dma_start3A_45 = arith.constant 0 : i32
    %dma_start3A_46 = arith.constant 0 : i32
    %dma_start3A_47 = tpu.memref_slice %arg8[%dma_start3A_44, %dma_start3A_45, %dma_start3A_46] : memref<6x128x128xf32, #tpu.memory_space<vmem>> -> memref<1x128x128xf32, #tpu.memory_space<vmem>>
    %dma_start3A_48 = tpu.memref_squeeze %dma_start3A_47 : memref<1x128x128xf32, #tpu.memory_space<vmem>> -> memref<128x128xf32, #tpu.memory_space<vmem>>
    %dma_start3A_49 = arith.constant 0 : i32
    %dma_start3A_50 = tpu.memref_slice %arg6[%dma_start3A_43, %dma_start3A_49] : memref<50x128xi32, #tpu.memory_space<vmem>> -> memref<1x128xi32, #tpu.memory_space<vmem>>
    %dma_start3A_51 = tpu.memref_squeeze %dma_start3A_50 : memref<1x128xi32, #tpu.memory_space<vmem>> -> memref<128xi32, #tpu.memory_space<vmem>>
    %dma_start3A_52 = arith.constant 0 : i32
    %dma_start3A_53 = arith.constant 0 : i32
    %dma_start3A_54 = tpu.memref_slice %arg4[%dma_start3A_52, %dma_start3A_53] : memref<100000x128xf32, #tpu.memory_space<hbm>> -> memref<100000x128xf32, #tpu.memory_space<hbm>>
    tpu.enqueue_indirect_dma source(%dma_start3A_54 : memref<100000x128xf32, #tpu.memory_space<hbm>>) target(%dma_start3A_48 : memref<128x128xf32, #tpu.memory_space<vmem>>) offsets(%dma_start3A_51 : memref<128xi32, #tpu.memory_space<vmem>>) semaphore(%arg13 : memref<!tpu.dma_semaphore, #tpu.memory_space<semaphore_mem>>)
    %dma_start3A_55 = arith.constant 4 : i32
    %dma_start3A_56 = arith.constant 4 : i32
    %dma_start3A_57 = arith.constant 0 : i32
    %dma_start3A_58 = arith.constant 0 : i32
    %dma_start3A_59 = tpu.memref_slice %arg8[%dma_start3A_56, %dma_start3A_57, %dma_start3A_58] : memref<6x128x128xf32, #tpu.memory_space<vmem>> -> memref<1x128x128xf32, #tpu.memory_space<vmem>>
    %dma_start3A_60 = tpu.memref_squeeze %dma_start3A_59 : memref<1x128x128xf32, #tpu.memory_space<vmem>> -> memref<128x128xf32, #tpu.memory_space<vmem>>
    %dma_start3A_61 = arith.constant 0 : i32
    %dma_start3A_62 = tpu.memref_slice %arg6[%dma_start3A_55, %dma_start3A_61] : memref<50x128xi32, #tpu.memory_space<vmem>> -> memref<1x128xi32, #tpu.memory_space<vmem>>
    %dma_start3A_63 = tpu.memref_squeeze %dma_start3A_62 : memref<1x128xi32, #tpu.memory_space<vmem>> -> memref<128xi32, #tpu.memory_space<vmem>>
    %dma_start3A_64 = arith.constant 0 : i32
    %dma_start3A_65 = arith.constant 0 : i32
    %dma_start3A_66 = tpu.memref_slice %arg4[%dma_start3A_64, %dma_start3A_65] : memref<100000x128xf32, #tpu.memory_space<hbm>> -> memref<100000x128xf32, #tpu.memory_space<hbm>>
    tpu.enqueue_indirect_dma source(%dma_start3A_66 : memref<100000x128xf32, #tpu.memory_space<hbm>>) target(%dma_start3A_60 : memref<128x128xf32, #tpu.memory_space<vmem>>) offsets(%dma_start3A_63 : memref<128xi32, #tpu.memory_space<vmem>>) semaphore(%arg14 : memref<!tpu.dma_semaphore, #tpu.memory_space<semaphore_mem>>)
    %dma_start3A_67 = arith.constant 5 : i32
    %dma_start3A_68 = arith.constant 5 : i32
    %dma_start3A_69 = arith.constant 0 : i32
    %dma_start3A_70 = arith.constant 0 : i32
    %dma_start3A_71 = tpu.memref_slice %arg8[%dma_start3A_68, %dma_start3A_69, %dma_start3A_70] : memref<6x128x128xf32, #tpu.memory_space<vmem>> -> memref<1x128x128xf32, #tpu.memory_space<vmem>>
    %dma_start3A_72 = tpu.memref_squeeze %dma_start3A_71 : memref<1x128x128xf32, #tpu.memory_space<vmem>> -> memref<128x128xf32, #tpu.memory_space<vmem>>
    %dma_start3A_73 = arith.constant 0 : i32
    %dma_start3A_74 = tpu.memref_slice %arg6[%dma_start3A_67, %dma_start3A_73] : memref<50x128xi32, #tpu.memory_space<vmem>> -> memref<1x128xi32, #tpu.memory_space<vmem>>
    %dma_start3A_75 = tpu.memref_squeeze %dma_start3A_74 : memref<1x128xi32, #tpu.memory_space<vmem>> -> memref<128xi32, #tpu.memory_space<vmem>>
    %dma_start3A_76 = arith.constant 0 : i32
    %dma_start3A_77 = arith.constant 0 : i32
    %dma_start3A_78 = tpu.memref_slice %arg4[%dma_start3A_76, %dma_start3A_77] : memref<100000x128xf32, #tpu.memory_space<hbm>> -> memref<100000x128xf32, #tpu.memory_space<hbm>>
    tpu.enqueue_indirect_dma source(%dma_start3A_78 : memref<100000x128xf32, #tpu.memory_space<hbm>>) target(%dma_start3A_72 : memref<128x128xf32, #tpu.memory_space<vmem>>) offsets(%dma_start3A_75 : memref<128xi32, #tpu.memory_space<vmem>>) semaphore(%arg15 : memref<!tpu.dma_semaphore, #tpu.memory_space<semaphore_mem>>)
    %scan3A_79 = arith.constant 0 : i32
    %scan3A_80 = arith.constant 0 : i32
    %scan3A_81 = arith.constant 9 : i32
    %scan3A_82 = arith.addi %scan3A_80, %scan3A_81 : i32
    %scan3A_83 = arith.constant 1 : i32
    scf.for %scan3A_163 = %scan3A_80 to %scan3A_82 step %scan3A_83  : i32 {
      %mul3A_164 = arith.constant 6 : i32
      %mul3A_165 = arith.muli %scan3A_163, %mul3A_164 : i32
      %add3A_166 = arith.constant 0 : i32
      %add3A_167 = arith.addi %mul3A_165, %add3A_166 : i32
      %lt3A = arith.constant 50 : i32
      %lt3A_168 = arith.cmpi slt, %add3A_167, %lt3A : i32
      %convert_element_type3A = arith.extui %lt3A_168 : i1 to i32
      %cond3A = arith.constant 0 : i32
      %cond3A_169 = arith.cmpi ne, %convert_element_type3A, %cond3A : i32
      scf.if %cond3A_169 {
        %dma_wait3A_205 = arith.constant 0 : i32
        %dma_wait3A_206 = arith.constant 0 : i32
        %dma_wait3A_207 = arith.constant 0 : i32
        %dma_wait3A_208 = tpu.memref_slice %arg8[%dma_wait3A_205, %dma_wait3A_206, %dma_wait3A_207] : memref<6x128x128xf32, #tpu.memory_space<vmem>> -> memref<1x128x128xf32, #tpu.memory_space<vmem>>
        %dma_wait3A_209 = tpu.memref_squeeze %dma_wait3A_208 : memref<1x128x128xf32, #tpu.memory_space<vmem>> -> memref<128x128xf32, #tpu.memory_space<vmem>>
        %dma_wait3A_210 = arith.constant 0 : i32
        %dma_wait3A_211 = arith.constant 0 : i32
        %dma_wait3A_212 = tpu.memref_slice %arg4[%dma_wait3A_210, %dma_wait3A_211] : memref<100000x128xf32, #tpu.memory_space<hbm>> -> memref<128x128xf32, #tpu.memory_space<hbm>>
        %dma_wait3A_213 = arith.constant 0 : i32
        %dma_wait3A_214 = arith.constant 0 : i32
        %dma_wait3A_215 = tpu.memref_slice %arg8[%dma_wait3A_205, %dma_wait3A_213, %dma_wait3A_214] : memref<6x128x128xf32, #tpu.memory_space<vmem>> -> memref<1x128x128xf32, #tpu.memory_space<vmem>>
        %dma_wait3A_216 = tpu.memref_squeeze %dma_wait3A_215 : memref<1x128x128xf32, #tpu.memory_space<vmem>> -> memref<128x128xf32, #tpu.memory_space<vmem>>
        %dma_wait3A_217 = arith.constant 0 : i32
        %dma_wait3A_218 = arith.constant 0 : i32
        %dma_wait3A_219 = tpu.memref_slice %arg4[%dma_wait3A_217, %dma_wait3A_218] : memref<100000x128xf32, #tpu.memory_space<hbm>> -> memref<128x128xf32, #tpu.memory_space<hbm>>
        tpu.wait_dma2 semaphore(%arg10 : memref<!tpu.dma_semaphore, #tpu.memory_space<semaphore_mem>>) src(%dma_wait3A_219 : memref<128x128xf32, #tpu.memory_space<hbm>>) dst(%dma_wait3A_216 : memref<128x128xf32, #tpu.memory_space<vmem>>)
        %dma_start3A_220 = arith.constant 0 : i32
        %dma_start3A_221 = arith.constant 0 : i32
        %dma_start3A_222 = arith.constant 0 : i32
        %dma_start3A_223 = tpu.memref_slice %arg8[%dma_start3A_220, %dma_start3A_221, %dma_start3A_222] : memref<6x128x128xf32, #tpu.memory_space<vmem>> -> memref<1x128x128xf32, #tpu.memory_space<vmem>>
        %dma_start3A_224 = tpu.memref_squeeze %dma_start3A_223 : memref<1x128x128xf32, #tpu.memory_space<vmem>> -> memref<128x128xf32, #tpu.memory_space<vmem>>
        %dma_start3A_225 = arith.constant 0 : i32
        %dma_start3A_226 = tpu.memref_slice %arg7[%add3A_167, %dma_start3A_225] : memref<50x128xi32, #tpu.memory_space<vmem>> -> memref<1x128xi32, #tpu.memory_space<vmem>>
        %dma_start3A_227 = tpu.memref_squeeze %dma_start3A_226 : memref<1x128xi32, #tpu.memory_space<vmem>> -> memref<128xi32, #tpu.memory_space<vmem>>
        %dma_start3A_228 = arith.constant 0 : i32
        %dma_start3A_229 = arith.constant 0 : i32
        %dma_start3A_230 = tpu.memref_slice %arg9[%dma_start3A_228, %dma_start3A_229] : memref<2048x128xf32, #tpu.memory_space<vmem_shared>> -> memref<2048x128xf32, #tpu.memory_space<vmem_shared>>
        tpu.enqueue_indirect_dma source(%dma_start3A_224 : memref<128x128xf32, #tpu.memory_space<vmem>>) target(%dma_start3A_230 : memref<2048x128xf32, #tpu.memory_space<vmem_shared>>) offsets(%dma_start3A_227 : memref<128xi32, #tpu.memory_space<vmem>>) semaphore(%arg16 : memref<!tpu.dma_semaphore, #tpu.memory_space<semaphore_mem>>) {add = true}
        %ge3A = arith.constant 1 : i32
        %ge3A_231 = arith.cmpi sge, %add3A_167, %ge3A : i32
        %sub3A = arith.constant 1 : i32
        %sub3A_232 = arith.subi %add3A_167, %sub3A : i32
        %add3A_233 = arith.constant 6 : i32
        %add3A_234 = arith.addi %sub3A_232, %add3A_233 : i32
        %lt3A_235 = arith.constant 50 : i32
        %lt3A_236 = arith.cmpi slt, %add3A_234, %lt3A_235 : i32
        %and3A = arith.andi %ge3A_231, %lt3A_236 : i1
        %convert_element_type3A_237 = arith.extui %and3A : i1 to i32
        %cond3A_238 = arith.constant 0 : i32
        %cond3A_239 = arith.cmpi ne, %convert_element_type3A_237, %cond3A_238 : i32
        scf.if %cond3A_239 {
          %dma_wait3A_240 = arith.constant 5 : i32
          %dma_wait3A_241 = arith.constant 0 : i32
          %dma_wait3A_242 = arith.constant 0 : i32
          %dma_wait3A_243 = arith.constant 0 : i32
          %dma_wait3A_244 = tpu.memref_slice %arg8[%dma_wait3A_240, %dma_wait3A_242, %dma_wait3A_243] : memref<6x128x128xf32, #tpu.memory_space<vmem>> -> memref<1x128x128xf32, #tpu.memory_space<vmem>>
          %dma_wait3A_245 = tpu.memref_squeeze %dma_wait3A_244 : memref<1x128x128xf32, #tpu.memory_space<vmem>> -> memref<128x128xf32, #tpu.memory_space<vmem>>
          %dma_wait3A_246 = arith.constant 0 : i32
          %dma_wait3A_247 = tpu.memref_slice %arg7[%dma_wait3A_241, %dma_wait3A_246] : memref<50x128xi32, #tpu.memory_space<vmem>> -> memref<1x128xi32, #tpu.memory_space<vmem>>
          %dma_wait3A_248 = tpu.memref_squeeze %dma_wait3A_247 : memref<1x128xi32, #tpu.memory_space<vmem>> -> memref<128xi32, #tpu.memory_space<vmem>>
          %dma_wait3A_249 = arith.constant 0 : i32
          %dma_wait3A_250 = arith.constant 0 : i32
          %dma_wait3A_251 = tpu.memref_slice %arg9[%dma_wait3A_249, %dma_wait3A_250] : memref<2048x128xf32, #tpu.memory_space<vmem_shared>> -> memref<2048x128xf32, #tpu.memory_space<vmem_shared>>
          tpu.wait_indirect_dma semaphore(%arg21 : memref<!tpu.dma_semaphore, #tpu.memory_space<semaphore_mem>>) src(%dma_wait3A_245 : memref<128x128xf32, #tpu.memory_space<vmem>>) dst(%dma_wait3A_251 : memref<2048x128xf32, #tpu.memory_space<vmem_shared>>)
          %sub3A_252 = arith.constant 1 : i32
          %sub3A_253 = arith.subi %add3A_167, %sub3A_252 : i32
          %add3A_254 = arith.constant 6 : i32
          %add3A_255 = arith.addi %sub3A_253, %add3A_254 : i32
          %dma_start3A_256 = arith.constant 5 : i32
          %dma_start3A_257 = arith.constant 0 : i32
          %dma_start3A_258 = arith.constant 0 : i32
          %dma_start3A_259 = tpu.memref_slice %arg8[%dma_start3A_256, %dma_start3A_257, %dma_start3A_258] : memref<6x128x128xf32, #tpu.memory_space<vmem>> -> memref<1x128x128xf32, #tpu.memory_space<vmem>>
          %dma_start3A_260 = tpu.memref_squeeze %dma_start3A_259 : memref<1x128x128xf32, #tpu.memory_space<vmem>> -> memref<128x128xf32, #tpu.memory_space<vmem>>
          %dma_start3A_261 = arith.constant 0 : i32
          %dma_start3A_262 = tpu.memref_slice %arg6[%add3A_255, %dma_start3A_261] : memref<50x128xi32, #tpu.memory_space<vmem>> -> memref<1x128xi32, #tpu.memory_space<vmem>>
          %dma_start3A_263 = tpu.memref_squeeze %dma_start3A_262 : memref<1x128xi32, #tpu.memory_space<vmem>> -> memref<128xi32, #tpu.memory_space<vmem>>
          %dma_start3A_264 = arith.constant 0 : i32
          %dma_start3A_265 = arith.constant 0 : i32
          %dma_start3A_266 = tpu.memref_slice %arg4[%dma_start3A_264, %dma_start3A_265] : memref<100000x128xf32, #tpu.memory_space<hbm>> -> memref<100000x128xf32, #tpu.memory_space<hbm>>
          tpu.enqueue_indirect_dma source(%dma_start3A_266 : memref<100000x128xf32, #tpu.memory_space<hbm>>) target(%dma_start3A_260 : memref<128x128xf32, #tpu.memory_space<vmem>>) offsets(%dma_start3A_263 : memref<128xi32, #tpu.memory_space<vmem>>) semaphore(%arg15 : memref<!tpu.dma_semaphore, #tpu.memory_space<semaphore_mem>>)
        } else {
        }
      } else {
      }
      %add3A_170 = arith.constant 1 : i32
      %add3A_171 = arith.addi %mul3A_165, %add3A_170 : i32
      %lt3A_172 = arith.constant 50 : i32
      %lt3A_173 = arith.cmpi slt, %add3A_171, %lt3A_172 : i32
      %convert_element_type3A_174 = arith.extui %lt3A_173 : i1 to i32
      %cond3A_175 = arith.constant 0 : i32
      %cond3A_176 = arith.cmpi ne, %convert_element_type3A_174, %cond3A_175 : i32
      scf.if %cond3A_176 {
        %dma_wait3A_205 = arith.constant 1 : i32
        %dma_wait3A_206 = arith.constant 0 : i32
        %dma_wait3A_207 = arith.constant 0 : i32
        %dma_wait3A_208 = tpu.memref_slice %arg8[%dma_wait3A_205, %dma_wait3A_206, %dma_wait3A_207] : memref<6x128x128xf32, #tpu.memory_space<vmem>> -> memref<1x128x128xf32, #tpu.memory_space<vmem>>
        %dma_wait3A_209 = tpu.memref_squeeze %dma_wait3A_208 : memref<1x128x128xf32, #tpu.memory_space<vmem>> -> memref<128x128xf32, #tpu.memory_space<vmem>>
        %dma_wait3A_210 = arith.constant 0 : i32
        %dma_wait3A_211 = arith.constant 0 : i32
        %dma_wait3A_212 = tpu.memref_slice %arg4[%dma_wait3A_210, %dma_wait3A_211] : memref<100000x128xf32, #tpu.memory_space<hbm>> -> memref<128x128xf32, #tpu.memory_space<hbm>>
        %dma_wait3A_213 = arith.constant 0 : i32
        %dma_wait3A_214 = arith.constant 0 : i32
        %dma_wait3A_215 = tpu.memref_slice %arg8[%dma_wait3A_205, %dma_wait3A_213, %dma_wait3A_214] : memref<6x128x128xf32, #tpu.memory_space<vmem>> -> memref<1x128x128xf32, #tpu.memory_space<vmem>>
        %dma_wait3A_216 = tpu.memref_squeeze %dma_wait3A_215 : memref<1x128x128xf32, #tpu.memory_space<vmem>> -> memref<128x128xf32, #tpu.memory_space<vmem>>
        %dma_wait3A_217 = arith.constant 0 : i32
        %dma_wait3A_218 = arith.constant 0 : i32
        %dma_wait3A_219 = tpu.memref_slice %arg4[%dma_wait3A_217, %dma_wait3A_218] : memref<100000x128xf32, #tpu.memory_space<hbm>> -> memref<128x128xf32, #tpu.memory_space<hbm>>
        tpu.wait_dma2 semaphore(%arg11 : memref<!tpu.dma_semaphore, #tpu.memory_space<semaphore_mem>>) src(%dma_wait3A_219 : memref<128x128xf32, #tpu.memory_space<hbm>>) dst(%dma_wait3A_216 : memref<128x128xf32, #tpu.memory_space<vmem>>)
        %dma_start3A_220 = arith.constant 1 : i32
        %dma_start3A_221 = arith.constant 0 : i32
        %dma_start3A_222 = arith.constant 0 : i32
        %dma_start3A_223 = tpu.memref_slice %arg8[%dma_start3A_220, %dma_start3A_221, %dma_start3A_222] : memref<6x128x128xf32, #tpu.memory_space<vmem>> -> memref<1x128x128xf32, #tpu.memory_space<vmem>>
        %dma_start3A_224 = tpu.memref_squeeze %dma_start3A_223 : memref<1x128x128xf32, #tpu.memory_space<vmem>> -> memref<128x128xf32, #tpu.memory_space<vmem>>
        %dma_start3A_225 = arith.constant 0 : i32
        %dma_start3A_226 = tpu.memref_slice %arg7[%add3A_171, %dma_start3A_225] : memref<50x128xi32, #tpu.memory_space<vmem>> -> memref<1x128xi32, #tpu.memory_space<vmem>>
        %dma_start3A_227 = tpu.memref_squeeze %dma_start3A_226 : memref<1x128xi32, #tpu.memory_space<vmem>> -> memref<128xi32, #tpu.memory_space<vmem>>
        %dma_start3A_228 = arith.constant 0 : i32
        %dma_start3A_229 = arith.constant 0 : i32
        %dma_start3A_230 = tpu.memref_slice %arg9[%dma_start3A_228, %dma_start3A_229] : memref<2048x128xf32, #tpu.memory_space<vmem_shared>> -> memref<2048x128xf32, #tpu.memory_space<vmem_shared>>
        tpu.enqueue_indirect_dma source(%dma_start3A_224 : memref<128x128xf32, #tpu.memory_space<vmem>>) target(%dma_start3A_230 : memref<2048x128xf32, #tpu.memory_space<vmem_shared>>) offsets(%dma_start3A_227 : memref<128xi32, #tpu.memory_space<vmem>>) semaphore(%arg17 : memref<!tpu.dma_semaphore, #tpu.memory_space<semaphore_mem>>) {add = true}
        %ge3A = arith.constant 1 : i32
        %ge3A_231 = arith.cmpi sge, %add3A_171, %ge3A : i32
        %sub3A = arith.constant 1 : i32
        %sub3A_232 = arith.subi %add3A_171, %sub3A : i32
        %add3A_233 = arith.constant 6 : i32
        %add3A_234 = arith.addi %sub3A_232, %add3A_233 : i32
        %lt3A_235 = arith.constant 50 : i32
        %lt3A_236 = arith.cmpi slt, %add3A_234, %lt3A_235 : i32
        %and3A = arith.andi %ge3A_231, %lt3A_236 : i1
        %convert_element_type3A_237 = arith.extui %and3A : i1 to i32
        %cond3A_238 = arith.constant 0 : i32
        %cond3A_239 = arith.cmpi ne, %convert_element_type3A_237, %cond3A_238 : i32
        scf.if %cond3A_239 {
          %dma_wait3A_240 = arith.constant 0 : i32
          %dma_wait3A_241 = arith.constant 0 : i32
          %dma_wait3A_242 = arith.constant 0 : i32
          %dma_wait3A_243 = arith.constant 0 : i32
          %dma_wait3A_244 = tpu.memref_slice %arg8[%dma_wait3A_240, %dma_wait3A_242, %dma_wait3A_243] : memref<6x128x128xf32, #tpu.memory_space<vmem>> -> memref<1x128x128xf32, #tpu.memory_space<vmem>>
          %dma_wait3A_245 = tpu.memref_squeeze %dma_wait3A_244 : memref<1x128x128xf32, #tpu.memory_space<vmem>> -> memref<128x128xf32, #tpu.memory_space<vmem>>
          %dma_wait3A_246 = arith.constant 0 : i32
          %dma_wait3A_247 = tpu.memref_slice %arg7[%dma_wait3A_241, %dma_wait3A_246] : memref<50x128xi32, #tpu.memory_space<vmem>> -> memref<1x128xi32, #tpu.memory_space<vmem>>
          %dma_wait3A_248 = tpu.memref_squeeze %dma_wait3A_247 : memref<1x128xi32, #tpu.memory_space<vmem>> -> memref<128xi32, #tpu.memory_space<vmem>>
          %dma_wait3A_249 = arith.constant 0 : i32
          %dma_wait3A_250 = arith.constant 0 : i32
          %dma_wait3A_251 = tpu.memref_slice %arg9[%dma_wait3A_249, %dma_wait3A_250] : memref<2048x128xf32, #tpu.memory_space<vmem_shared>> -> memref<2048x128xf32, #tpu.memory_space<vmem_shared>>
          tpu.wait_indirect_dma semaphore(%arg16 : memref<!tpu.dma_semaphore, #tpu.memory_space<semaphore_mem>>) src(%dma_wait3A_245 : memref<128x128xf32, #tpu.memory_space<vmem>>) dst(%dma_wait3A_251 : memref<2048x128xf32, #tpu.memory_space<vmem_shared>>)
          %sub3A_252 = arith.constant 1 : i32
          %sub3A_253 = arith.subi %add3A_171, %sub3A_252 : i32
          %add3A_254 = arith.constant 6 : i32
          %add3A_255 = arith.addi %sub3A_253, %add3A_254 : i32
          %dma_start3A_256 = arith.constant 0 : i32
          %dma_start3A_257 = arith.constant 0 : i32
          %dma_start3A_258 = arith.constant 0 : i32
          %dma_start3A_259 = tpu.memref_slice %arg8[%dma_start3A_256, %dma_start3A_257, %dma_start3A_258] : memref<6x128x128xf32, #tpu.memory_space<vmem>> -> memref<1x128x128xf32, #tpu.memory_space<vmem>>
          %dma_start3A_260 = tpu.memref_squeeze %dma_start3A_259 : memref<1x128x128xf32, #tpu.memory_space<vmem>> -> memref<128x128xf32, #tpu.memory_space<vmem>>
          %dma_start3A_261 = arith.constant 0 : i32
          %dma_start3A_262 = tpu.memref_slice %arg6[%add3A_255, %dma_start3A_261] : memref<50x128xi32, #tpu.memory_space<vmem>> -> memref<1x128xi32, #tpu.memory_space<vmem>>
          %dma_start3A_263 = tpu.memref_squeeze %dma_start3A_262 : memref<1x128xi32, #tpu.memory_space<vmem>> -> memref<128xi32, #tpu.memory_space<vmem>>
          %dma_start3A_264 = arith.constant 0 : i32
          %dma_start3A_265 = arith.constant 0 : i32
          %dma_start3A_266 = tpu.memref_slice %arg4[%dma_start3A_264, %dma_start3A_265] : memref<100000x128xf32, #tpu.memory_space<hbm>> -> memref<100000x128xf32, #tpu.memory_space<hbm>>
          tpu.enqueue_indirect_dma source(%dma_start3A_266 : memref<100000x128xf32, #tpu.memory_space<hbm>>) target(%dma_start3A_260 : memref<128x128xf32, #tpu.memory_space<vmem>>) offsets(%dma_start3A_263 : memref<128xi32, #tpu.memory_space<vmem>>) semaphore(%arg10 : memref<!tpu.dma_semaphore, #tpu.memory_space<semaphore_mem>>)
        } else {
        }
      } else {
      }
      %add3A_177 = arith.constant 2 : i32
      %add3A_178 = arith.addi %mul3A_165, %add3A_177 : i32
      %lt3A_179 = arith.constant 50 : i32
      %lt3A_180 = arith.cmpi slt, %add3A_178, %lt3A_179 : i32
      %convert_element_type3A_181 = arith.extui %lt3A_180 : i1 to i32
      %cond3A_182 = arith.constant 0 : i32
      %cond3A_183 = arith.cmpi ne, %convert_element_type3A_181, %cond3A_182 : i32
      scf.if %cond3A_183 {
        %dma_wait3A_205 = arith.constant 2 : i32
        %dma_wait3A_206 = arith.constant 0 : i32
        %dma_wait3A_207 = arith.constant 0 : i32
        %dma_wait3A_208 = tpu.memref_slice %arg8[%dma_wait3A_205, %dma_wait3A_206, %dma_wait3A_207] : memref<6x128x128xf32, #tpu.memory_space<vmem>> -> memref<1x128x128xf32, #tpu.memory_space<vmem>>
        %dma_wait3A_209 = tpu.memref_squeeze %dma_wait3A_208 : memref<1x128x128xf32, #tpu.memory_space<vmem>> -> memref<128x128xf32, #tpu.memory_space<vmem>>
        %dma_wait3A_210 = arith.constant 0 : i32
        %dma_wait3A_211 = arith.constant 0 : i32
        %dma_wait3A_212 = tpu.memref_slice %arg4[%dma_wait3A_210, %dma_wait3A_211] : memref<100000x128xf32, #tpu.memory_space<hbm>> -> memref<128x128xf32, #tpu.memory_space<hbm>>
        %dma_wait3A_213 = arith.constant 0 : i32
        %dma_wait3A_214 = arith.constant 0 : i32
        %dma_wait3A_215 = tpu.memref_slice %arg8[%dma_wait3A_205, %dma_wait3A_213, %dma_wait3A_214] : memref<6x128x128xf32, #tpu.memory_space<vmem>> -> memref<1x128x128xf32, #tpu.memory_space<vmem>>
        %dma_wait3A_216 = tpu.memref_squeeze %dma_wait3A_215 : memref<1x128x128xf32, #tpu.memory_space<vmem>> -> memref<128x128xf32, #tpu.memory_space<vmem>>
        %dma_wait3A_217 = arith.constant 0 : i32
        %dma_wait3A_218 = arith.constant 0 : i32
        %dma_wait3A_219 = tpu.memref_slice %arg4[%dma_wait3A_217, %dma_wait3A_218] : memref<100000x128xf32, #tpu.memory_space<hbm>> -> memref<128x128xf32, #tpu.memory_space<hbm>>
        tpu.wait_dma2 semaphore(%arg12 : memref<!tpu.dma_semaphore, #tpu.memory_space<semaphore_mem>>) src(%dma_wait3A_219 : memref<128x128xf32, #tpu.memory_space<hbm>>) dst(%dma_wait3A_216 : memref<128x128xf32, #tpu.memory_space<vmem>>)
        %dma_start3A_220 = arith.constant 2 : i32
        %dma_start3A_221 = arith.constant 0 : i32
        %dma_start3A_222 = arith.constant 0 : i32
        %dma_start3A_223 = tpu.memref_slice %arg8[%dma_start3A_220, %dma_start3A_221, %dma_start3A_222] : memref<6x128x128xf32, #tpu.memory_space<vmem>> -> memref<1x128x128xf32, #tpu.memory_space<vmem>>
        %dma_start3A_224 = tpu.memref_squeeze %dma_start3A_223 : memref<1x128x128xf32, #tpu.memory_space<vmem>> -> memref<128x128xf32, #tpu.memory_space<vmem>>
        %dma_start3A_225 = arith.constant 0 : i32
        %dma_start3A_226 = tpu.memref_slice %arg7[%add3A_178, %dma_start3A_225] : memref<50x128xi32, #tpu.memory_space<vmem>> -> memref<1x128xi32, #tpu.memory_space<vmem>>
        %dma_start3A_227 = tpu.memref_squeeze %dma_start3A_226 : memref<1x128xi32, #tpu.memory_space<vmem>> -> memref<128xi32, #tpu.memory_space<vmem>>
        %dma_start3A_228 = arith.constant 0 : i32
        %dma_start3A_229 = arith.constant 0 : i32
        %dma_start3A_230 = tpu.memref_slice %arg9[%dma_start3A_228, %dma_start3A_229] : memref<2048x128xf32, #tpu.memory_space<vmem_shared>> -> memref<2048x128xf32, #tpu.memory_space<vmem_shared>>
        tpu.enqueue_indirect_dma source(%dma_start3A_224 : memref<128x128xf32, #tpu.memory_space<vmem>>) target(%dma_start3A_230 : memref<2048x128xf32, #tpu.memory_space<vmem_shared>>) offsets(%dma_start3A_227 : memref<128xi32, #tpu.memory_space<vmem>>) semaphore(%arg18 : memref<!tpu.dma_semaphore, #tpu.memory_space<semaphore_mem>>) {add = true}
        %ge3A = arith.constant 1 : i32
        %ge3A_231 = arith.cmpi sge, %add3A_178, %ge3A : i32
        %sub3A = arith.constant 1 : i32
        %sub3A_232 = arith.subi %add3A_178, %sub3A : i32
        %add3A_233 = arith.constant 6 : i32
        %add3A_234 = arith.addi %sub3A_232, %add3A_233 : i32
        %lt3A_235 = arith.constant 50 : i32
        %lt3A_236 = arith.cmpi slt, %add3A_234, %lt3A_235 : i32
        %and3A = arith.andi %ge3A_231, %lt3A_236 : i1
        %convert_element_type3A_237 = arith.extui %and3A : i1 to i32
        %cond3A_238 = arith.constant 0 : i32
        %cond3A_239 = arith.cmpi ne, %convert_element_type3A_237, %cond3A_238 : i32
        scf.if %cond3A_239 {
          %dma_wait3A_240 = arith.constant 1 : i32
          %dma_wait3A_241 = arith.constant 0 : i32
          %dma_wait3A_242 = arith.constant 0 : i32
          %dma_wait3A_243 = arith.constant 0 : i32
          %dma_wait3A_244 = tpu.memref_slice %arg8[%dma_wait3A_240, %dma_wait3A_242, %dma_wait3A_243] : memref<6x128x128xf32, #tpu.memory_space<vmem>> -> memref<1x128x128xf32, #tpu.memory_space<vmem>>
          %dma_wait3A_245 = tpu.memref_squeeze %dma_wait3A_244 : memref<1x128x128xf32, #tpu.memory_space<vmem>> -> memref<128x128xf32, #tpu.memory_space<vmem>>
          %dma_wait3A_246 = arith.constant 0 : i32
          %dma_wait3A_247 = tpu.memref_slice %arg7[%dma_wait3A_241, %dma_wait3A_246] : memref<50x128xi32, #tpu.memory_space<vmem>> -> memref<1x128xi32, #tpu.memory_space<vmem>>
          %dma_wait3A_248 = tpu.memref_squeeze %dma_wait3A_247 : memref<1x128xi32, #tpu.memory_space<vmem>> -> memref<128xi32, #tpu.memory_space<vmem>>
          %dma_wait3A_249 = arith.constant 0 : i32
          %dma_wait3A_250 = arith.constant 0 : i32
          %dma_wait3A_251 = tpu.memref_slice %arg9[%dma_wait3A_249, %dma_wait3A_250] : memref<2048x128xf32, #tpu.memory_space<vmem_shared>> -> memref<2048x128xf32, #tpu.memory_space<vmem_shared>>
          tpu.wait_indirect_dma semaphore(%arg17 : memref<!tpu.dma_semaphore, #tpu.memory_space<semaphore_mem>>) src(%dma_wait3A_245 : memref<128x128xf32, #tpu.memory_space<vmem>>) dst(%dma_wait3A_251 : memref<2048x128xf32, #tpu.memory_space<vmem_shared>>)
          %sub3A_252 = arith.constant 1 : i32
          %sub3A_253 = arith.subi %add3A_178, %sub3A_252 : i32
          %add3A_254 = arith.constant 6 : i32
          %add3A_255 = arith.addi %sub3A_253, %add3A_254 : i32
          %dma_start3A_256 = arith.constant 1 : i32
          %dma_start3A_257 = arith.constant 0 : i32
          %dma_start3A_258 = arith.constant 0 : i32
          %dma_start3A_259 = tpu.memref_slice %arg8[%dma_start3A_256, %dma_start3A_257, %dma_start3A_258] : memref<6x128x128xf32, #tpu.memory_space<vmem>> -> memref<1x128x128xf32, #tpu.memory_space<vmem>>
          %dma_start3A_260 = tpu.memref_squeeze %dma_start3A_259 : memref<1x128x128xf32, #tpu.memory_space<vmem>> -> memref<128x128xf32, #tpu.memory_space<vmem>>
          %dma_start3A_261 = arith.constant 0 : i32
          %dma_start3A_262 = tpu.memref_slice %arg6[%add3A_255, %dma_start3A_261] : memref<50x128xi32, #tpu.memory_space<vmem>> -> memref<1x128xi32, #tpu.memory_space<vmem>>
          %dma_start3A_263 = tpu.memref_squeeze %dma_start3A_262 : memref<1x128xi32, #tpu.memory_space<vmem>> -> memref<128xi32, #tpu.memory_space<vmem>>
          %dma_start3A_264 = arith.constant 0 : i32
          %dma_start3A_265 = arith.constant 0 : i32
          %dma_start3A_266 = tpu.memref_slice %arg4[%dma_start3A_264, %dma_start3A_265] : memref<100000x128xf32, #tpu.memory_space<hbm>> -> memref<100000x128xf32, #tpu.memory_space<hbm>>
          tpu.enqueue_indirect_dma source(%dma_start3A_266 : memref<100000x128xf32, #tpu.memory_space<hbm>>) target(%dma_start3A_260 : memref<128x128xf32, #tpu.memory_space<vmem>>) offsets(%dma_start3A_263 : memref<128xi32, #tpu.memory_space<vmem>>) semaphore(%arg11 : memref<!tpu.dma_semaphore, #tpu.memory_space<semaphore_mem>>)
        } else {
        }
      } else {
      }
      %add3A_184 = arith.constant 3 : i32
      %add3A_185 = arith.addi %mul3A_165, %add3A_184 : i32
      %lt3A_186 = arith.constant 50 : i32
      %lt3A_187 = arith.cmpi slt, %add3A_185, %lt3A_186 : i32
      %convert_element_type3A_188 = arith.extui %lt3A_187 : i1 to i32
      %cond3A_189 = arith.constant 0 : i32
      %cond3A_190 = arith.cmpi ne, %convert_element_type3A_188, %cond3A_189 : i32
      scf.if %cond3A_190 {
        %dma_wait3A_205 = arith.constant 3 : i32
        %dma_wait3A_206 = arith.constant 0 : i32
        %dma_wait3A_207 = arith.constant 0 : i32
        %dma_wait3A_208 = tpu.memref_slice %arg8[%dma_wait3A_205, %dma_wait3A_206, %dma_wait3A_207] : memref<6x128x128xf32, #tpu.memory_space<vmem>> -> memref<1x128x128xf32, #tpu.memory_space<vmem>>
        %dma_wait3A_209 = tpu.memref_squeeze %dma_wait3A_208 : memref<1x128x128xf32, #tpu.memory_space<vmem>> -> memref<128x128xf32, #tpu.memory_space<vmem>>
        %dma_wait3A_210 = arith.constant 0 : i32
        %dma_wait3A_211 = arith.constant 0 : i32
        %dma_wait3A_212 = tpu.memref_slice %arg4[%dma_wait3A_210, %dma_wait3A_211] : memref<100000x128xf32, #tpu.memory_space<hbm>> -> memref<128x128xf32, #tpu.memory_space<hbm>>
        %dma_wait3A_213 = arith.constant 0 : i32
        %dma_wait3A_214 = arith.constant 0 : i32
        %dma_wait3A_215 = tpu.memref_slice %arg8[%dma_wait3A_205, %dma_wait3A_213, %dma_wait3A_214] : memref<6x128x128xf32, #tpu.memory_space<vmem>> -> memref<1x128x128xf32, #tpu.memory_space<vmem>>
        %dma_wait3A_216 = tpu.memref_squeeze %dma_wait3A_215 : memref<1x128x128xf32, #tpu.memory_space<vmem>> -> memref<128x128xf32, #tpu.memory_space<vmem>>
        %dma_wait3A_217 = arith.constant 0 : i32
        %dma_wait3A_218 = arith.constant 0 : i32
        %dma_wait3A_219 = tpu.memref_slice %arg4[%dma_wait3A_217, %dma_wait3A_218] : memref<100000x128xf32, #tpu.memory_space<hbm>> -> memref<128x128xf32, #tpu.memory_space<hbm>>
        tpu.wait_dma2 semaphore(%arg13 : memref<!tpu.dma_semaphore, #tpu.memory_space<semaphore_mem>>) src(%dma_wait3A_219 : memref<128x128xf32, #tpu.memory_space<hbm>>) dst(%dma_wait3A_216 : memref<128x128xf32, #tpu.memory_space<vmem>>)
        %dma_start3A_220 = arith.constant 3 : i32
        %dma_start3A_221 = arith.constant 0 : i32
        %dma_start3A_222 = arith.constant 0 : i32
        %dma_start3A_223 = tpu.memref_slice %arg8[%dma_start3A_220, %dma_start3A_221, %dma_start3A_222] : memref<6x128x128xf32, #tpu.memory_space<vmem>> -> memref<1x128x128xf32, #tpu.memory_space<vmem>>
        %dma_start3A_224 = tpu.memref_squeeze %dma_start3A_223 : memref<1x128x128xf32, #tpu.memory_space<vmem>> -> memref<128x128xf32, #tpu.memory_space<vmem>>
        %dma_start3A_225 = arith.constant 0 : i32
        %dma_start3A_226 = tpu.memref_slice %arg7[%add3A_185, %dma_start3A_225] : memref<50x128xi32, #tpu.memory_space<vmem>> -> memref<1x128xi32, #tpu.memory_space<vmem>>
        %dma_start3A_227 = tpu.memref_squeeze %dma_start3A_226 : memref<1x128xi32, #tpu.memory_space<vmem>> -> memref<128xi32, #tpu.memory_space<vmem>>
        %dma_start3A_228 = arith.constant 0 : i32
        %dma_start3A_229 = arith.constant 0 : i32
        %dma_start3A_230 = tpu.memref_slice %arg9[%dma_start3A_228, %dma_start3A_229] : memref<2048x128xf32, #tpu.memory_space<vmem_shared>> -> memref<2048x128xf32, #tpu.memory_space<vmem_shared>>
        tpu.enqueue_indirect_dma source(%dma_start3A_224 : memref<128x128xf32, #tpu.memory_space<vmem>>) target(%dma_start3A_230 : memref<2048x128xf32, #tpu.memory_space<vmem_shared>>) offsets(%dma_start3A_227 : memref<128xi32, #tpu.memory_space<vmem>>) semaphore(%arg19 : memref<!tpu.dma_semaphore, #tpu.memory_space<semaphore_mem>>) {add = true}
        %ge3A = arith.constant 1 : i32
        %ge3A_231 = arith.cmpi sge, %add3A_185, %ge3A : i32
        %sub3A = arith.constant 1 : i32
        %sub3A_232 = arith.subi %add3A_185, %sub3A : i32
        %add3A_233 = arith.constant 6 : i32
        %add3A_234 = arith.addi %sub3A_232, %add3A_233 : i32
        %lt3A_235 = arith.constant 50 : i32
        %lt3A_236 = arith.cmpi slt, %add3A_234, %lt3A_235 : i32
        %and3A = arith.andi %ge3A_231, %lt3A_236 : i1
        %convert_element_type3A_237 = arith.extui %and3A : i1 to i32
        %cond3A_238 = arith.constant 0 : i32
        %cond3A_239 = arith.cmpi ne, %convert_element_type3A_237, %cond3A_238 : i32
        scf.if %cond3A_239 {
          %dma_wait3A_240 = arith.constant 2 : i32
          %dma_wait3A_241 = arith.constant 0 : i32
          %dma_wait3A_242 = arith.constant 0 : i32
          %dma_wait3A_243 = arith.constant 0 : i32
          %dma_wait3A_244 = tpu.memref_slice %arg8[%dma_wait3A_240, %dma_wait3A_242, %dma_wait3A_243] : memref<6x128x128xf32, #tpu.memory_space<vmem>> -> memref<1x128x128xf32, #tpu.memory_space<vmem>>
          %dma_wait3A_245 = tpu.memref_squeeze %dma_wait3A_244 : memref<1x128x128xf32, #tpu.memory_space<vmem>> -> memref<128x128xf32, #tpu.memory_space<vmem>>
          %dma_wait3A_246 = arith.constant 0 : i32
          %dma_wait3A_247 = tpu.memref_slice %arg7[%dma_wait3A_241, %dma_wait3A_246] : memref<50x128xi32, #tpu.memory_space<vmem>> -> memref<1x128xi32, #tpu.memory_space<vmem>>
          %dma_wait3A_248 = tpu.memref_squeeze %dma_wait3A_247 : memref<1x128xi32, #tpu.memory_space<vmem>> -> memref<128xi32, #tpu.memory_space<vmem>>
          %dma_wait3A_249 = arith.constant 0 : i32
          %dma_wait3A_250 = arith.constant 0 : i32
          %dma_wait3A_251 = tpu.memref_slice %arg9[%dma_wait3A_249, %dma_wait3A_250] : memref<2048x128xf32, #tpu.memory_space<vmem_shared>> -> memref<2048x128xf32, #tpu.memory_space<vmem_shared>>
          tpu.wait_indirect_dma semaphore(%arg18 : memref<!tpu.dma_semaphore, #tpu.memory_space<semaphore_mem>>) src(%dma_wait3A_245 : memref<128x128xf32, #tpu.memory_space<vmem>>) dst(%dma_wait3A_251 : memref<2048x128xf32, #tpu.memory_space<vmem_shared>>)
          %sub3A_252 = arith.constant 1 : i32
          %sub3A_253 = arith.subi %add3A_185, %sub3A_252 : i32
          %add3A_254 = arith.constant 6 : i32
          %add3A_255 = arith.addi %sub3A_253, %add3A_254 : i32
          %dma_start3A_256 = arith.constant 2 : i32
          %dma_start3A_257 = arith.constant 0 : i32
          %dma_start3A_258 = arith.constant 0 : i32
          %dma_start3A_259 = tpu.memref_slice %arg8[%dma_start3A_256, %dma_start3A_257, %dma_start3A_258] : memref<6x128x128xf32, #tpu.memory_space<vmem>> -> memref<1x128x128xf32, #tpu.memory_space<vmem>>
          %dma_start3A_260 = tpu.memref_squeeze %dma_start3A_259 : memref<1x128x128xf32, #tpu.memory_space<vmem>> -> memref<128x128xf32, #tpu.memory_space<vmem>>
          %dma_start3A_261 = arith.constant 0 : i32
          %dma_start3A_262 = tpu.memref_slice %arg6[%add3A_255, %dma_start3A_261] : memref<50x128xi32, #tpu.memory_space<vmem>> -> memref<1x128xi32, #tpu.memory_space<vmem>>
          %dma_start3A_263 = tpu.memref_squeeze %dma_start3A_262 : memref<1x128xi32, #tpu.memory_space<vmem>> -> memref<128xi32, #tpu.memory_space<vmem>>
          %dma_start3A_264 = arith.constant 0 : i32
          %dma_start3A_265 = arith.constant 0 : i32
          %dma_start3A_266 = tpu.memref_slice %arg4[%dma_start3A_264, %dma_start3A_265] : memref<100000x128xf32, #tpu.memory_space<hbm>> -> memref<100000x128xf32, #tpu.memory_space<hbm>>
          tpu.enqueue_indirect_dma source(%dma_start3A_266 : memref<100000x128xf32, #tpu.memory_space<hbm>>) target(%dma_start3A_260 : memref<128x128xf32, #tpu.memory_space<vmem>>) offsets(%dma_start3A_263 : memref<128xi32, #tpu.memory_space<vmem>>) semaphore(%arg12 : memref<!tpu.dma_semaphore, #tpu.memory_space<semaphore_mem>>)
        } else {
        }
      } else {
      }
      %add3A_191 = arith.constant 4 : i32
      %add3A_192 = arith.addi %mul3A_165, %add3A_191 : i32
      %lt3A_193 = arith.constant 50 : i32
      %lt3A_194 = arith.cmpi slt, %add3A_192, %lt3A_193 : i32
      %convert_element_type3A_195 = arith.extui %lt3A_194 : i1 to i32
      %cond3A_196 = arith.constant 0 : i32
      %cond3A_197 = arith.cmpi ne, %convert_element_type3A_195, %cond3A_196 : i32
      scf.if %cond3A_197 {
        %dma_wait3A_205 = arith.constant 4 : i32
        %dma_wait3A_206 = arith.constant 0 : i32
        %dma_wait3A_207 = arith.constant 0 : i32
        %dma_wait3A_208 = tpu.memref_slice %arg8[%dma_wait3A_205, %dma_wait3A_206, %dma_wait3A_207] : memref<6x128x128xf32, #tpu.memory_space<vmem>> -> memref<1x128x128xf32, #tpu.memory_space<vmem>>
        %dma_wait3A_209 = tpu.memref_squeeze %dma_wait3A_208 : memref<1x128x128xf32, #tpu.memory_space<vmem>> -> memref<128x128xf32, #tpu.memory_space<vmem>>
        %dma_wait3A_210 = arith.constant 0 : i32
        %dma_wait3A_211 = arith.constant 0 : i32
        %dma_wait3A_212 = tpu.memref_slice %arg4[%dma_wait3A_210, %dma_wait3A_211] : memref<100000x128xf32, #tpu.memory_space<hbm>> -> memref<128x128xf32, #tpu.memory_space<hbm>>
        %dma_wait3A_213 = arith.constant 0 : i32
        %dma_wait3A_214 = arith.constant 0 : i32
        %dma_wait3A_215 = tpu.memref_slice %arg8[%dma_wait3A_205, %dma_wait3A_213, %dma_wait3A_214] : memref<6x128x128xf32, #tpu.memory_space<vmem>> -> memref<1x128x128xf32, #tpu.memory_space<vmem>>
        %dma_wait3A_216 = tpu.memref_squeeze %dma_wait3A_215 : memref<1x128x128xf32, #tpu.memory_space<vmem>> -> memref<128x128xf32, #tpu.memory_space<vmem>>
        %dma_wait3A_217 = arith.constant 0 : i32
        %dma_wait3A_218 = arith.constant 0 : i32
        %dma_wait3A_219 = tpu.memref_slice %arg4[%dma_wait3A_217, %dma_wait3A_218] : memref<100000x128xf32, #tpu.memory_space<hbm>> -> memref<128x128xf32, #tpu.memory_space<hbm>>
        tpu.wait_dma2 semaphore(%arg14 : memref<!tpu.dma_semaphore, #tpu.memory_space<semaphore_mem>>) src(%dma_wait3A_219 : memref<128x128xf32, #tpu.memory_space<hbm>>) dst(%dma_wait3A_216 : memref<128x128xf32, #tpu.memory_space<vmem>>)
        %dma_start3A_220 = arith.constant 4 : i32
        %dma_start3A_221 = arith.constant 0 : i32
        %dma_start3A_222 = arith.constant 0 : i32
        %dma_start3A_223 = tpu.memref_slice %arg8[%dma_start3A_220, %dma_start3A_221, %dma_start3A_222] : memref<6x128x128xf32, #tpu.memory_space<vmem>> -> memref<1x128x128xf32, #tpu.memory_space<vmem>>
        %dma_start3A_224 = tpu.memref_squeeze %dma_start3A_223 : memref<1x128x128xf32, #tpu.memory_space<vmem>> -> memref<128x128xf32, #tpu.memory_space<vmem>>
        %dma_start3A_225 = arith.constant 0 : i32
        %dma_start3A_226 = tpu.memref_slice %arg7[%add3A_192, %dma_start3A_225] : memref<50x128xi32, #tpu.memory_space<vmem>> -> memref<1x128xi32, #tpu.memory_space<vmem>>
        %dma_start3A_227 = tpu.memref_squeeze %dma_start3A_226 : memref<1x128xi32, #tpu.memory_space<vmem>> -> memref<128xi32, #tpu.memory_space<vmem>>
        %dma_start3A_228 = arith.constant 0 : i32
        %dma_start3A_229 = arith.constant 0 : i32
        %dma_start3A_230 = tpu.memref_slice %arg9[%dma_start3A_228, %dma_start3A_229] : memref<2048x128xf32, #tpu.memory_space<vmem_shared>> -> memref<2048x128xf32, #tpu.memory_space<vmem_shared>>
        tpu.enqueue_indirect_dma source(%dma_start3A_224 : memref<128x128xf32, #tpu.memory_space<vmem>>) target(%dma_start3A_230 : memref<2048x128xf32, #tpu.memory_space<vmem_shared>>) offsets(%dma_start3A_227 : memref<128xi32, #tpu.memory_space<vmem>>) semaphore(%arg20 : memref<!tpu.dma_semaphore, #tpu.memory_space<semaphore_mem>>) {add = true}
        %ge3A = arith.constant 1 : i32
        %ge3A_231 = arith.cmpi sge, %add3A_192, %ge3A : i32
        %sub3A = arith.constant 1 : i32
        %sub3A_232 = arith.subi %add3A_192, %sub3A : i32
        %add3A_233 = arith.constant 6 : i32
        %add3A_234 = arith.addi %sub3A_232, %add3A_233 : i32
        %lt3A_235 = arith.constant 50 : i32
        %lt3A_236 = arith.cmpi slt, %add3A_234, %lt3A_235 : i32
        %and3A = arith.andi %ge3A_231, %lt3A_236 : i1
        %convert_element_type3A_237 = arith.extui %and3A : i1 to i32
        %cond3A_238 = arith.constant 0 : i32
        %cond3A_239 = arith.cmpi ne, %convert_element_type3A_237, %cond3A_238 : i32
        scf.if %cond3A_239 {
          %dma_wait3A_240 = arith.constant 3 : i32
          %dma_wait3A_241 = arith.constant 0 : i32
          %dma_wait3A_242 = arith.constant 0 : i32
          %dma_wait3A_243 = arith.constant 0 : i32
          %dma_wait3A_244 = tpu.memref_slice %arg8[%dma_wait3A_240, %dma_wait3A_242, %dma_wait3A_243] : memref<6x128x128xf32, #tpu.memory_space<vmem>> -> memref<1x128x128xf32, #tpu.memory_space<vmem>>
          %dma_wait3A_245 = tpu.memref_squeeze %dma_wait3A_244 : memref<1x128x128xf32, #tpu.memory_space<vmem>> -> memref<128x128xf32, #tpu.memory_space<vmem>>
          %dma_wait3A_246 = arith.constant 0 : i32
          %dma_wait3A_247 = tpu.memref_slice %arg7[%dma_wait3A_241, %dma_wait3A_246] : memref<50x128xi32, #tpu.memory_space<vmem>> -> memref<1x128xi32, #tpu.memory_space<vmem>>
          %dma_wait3A_248 = tpu.memref_squeeze %dma_wait3A_247 : memref<1x128xi32, #tpu.memory_space<vmem>> -> memref<128xi32, #tpu.memory_space<vmem>>
          %dma_wait3A_249 = arith.constant 0 : i32
          %dma_wait3A_250 = arith.constant 0 : i32
          %dma_wait3A_251 = tpu.memref_slice %arg9[%dma_wait3A_249, %dma_wait3A_250] : memref<2048x128xf32, #tpu.memory_space<vmem_shared>> -> memref<2048x128xf32, #tpu.memory_space<vmem_shared>>
          tpu.wait_indirect_dma semaphore(%arg19 : memref<!tpu.dma_semaphore, #tpu.memory_space<semaphore_mem>>) src(%dma_wait3A_245 : memref<128x128xf32, #tpu.memory_space<vmem>>) dst(%dma_wait3A_251 : memref<2048x128xf32, #tpu.memory_space<vmem_shared>>)
          %sub3A_252 = arith.constant 1 : i32
          %sub3A_253 = arith.subi %add3A_192, %sub3A_252 : i32
          %add3A_254 = arith.constant 6 : i32
          %add3A_255 = arith.addi %sub3A_253, %add3A_254 : i32
          %dma_start3A_256 = arith.constant 3 : i32
          %dma_start3A_257 = arith.constant 0 : i32
          %dma_start3A_258 = arith.constant 0 : i32
          %dma_start3A_259 = tpu.memref_slice %arg8[%dma_start3A_256, %dma_start3A_257, %dma_start3A_258] : memref<6x128x128xf32, #tpu.memory_space<vmem>> -> memref<1x128x128xf32, #tpu.memory_space<vmem>>
          %dma_start3A_260 = tpu.memref_squeeze %dma_start3A_259 : memref<1x128x128xf32, #tpu.memory_space<vmem>> -> memref<128x128xf32, #tpu.memory_space<vmem>>
          %dma_start3A_261 = arith.constant 0 : i32
          %dma_start3A_262 = tpu.memref_slice %arg6[%add3A_255, %dma_start3A_261] : memref<50x128xi32, #tpu.memory_space<vmem>> -> memref<1x128xi32, #tpu.memory_space<vmem>>
          %dma_start3A_263 = tpu.memref_squeeze %dma_start3A_262 : memref<1x128xi32, #tpu.memory_space<vmem>> -> memref<128xi32, #tpu.memory_space<vmem>>
          %dma_start3A_264 = arith.constant 0 : i32
          %dma_start3A_265 = arith.constant 0 : i32
          %dma_start3A_266 = tpu.memref_slice %arg4[%dma_start3A_264, %dma_start3A_265] : memref<100000x128xf32, #tpu.memory_space<hbm>> -> memref<100000x128xf32, #tpu.memory_space<hbm>>
          tpu.enqueue_indirect_dma source(%dma_start3A_266 : memref<100000x128xf32, #tpu.memory_space<hbm>>) target(%dma_start3A_260 : memref<128x128xf32, #tpu.memory_space<vmem>>) offsets(%dma_start3A_263 : memref<128xi32, #tpu.memory_space<vmem>>) semaphore(%arg13 : memref<!tpu.dma_semaphore, #tpu.memory_space<semaphore_mem>>)
        } else {
        }
      } else {
      }
      %add3A_198 = arith.constant 5 : i32
      %add3A_199 = arith.addi %mul3A_165, %add3A_198 : i32
      %lt3A_200 = arith.constant 50 : i32
      %lt3A_201 = arith.cmpi slt, %add3A_199, %lt3A_200 : i32
      %convert_element_type3A_202 = arith.extui %lt3A_201 : i1 to i32
      %cond3A_203 = arith.constant 0 : i32
      %cond3A_204 = arith.cmpi ne, %convert_element_type3A_202, %cond3A_203 : i32
      scf.if %cond3A_204 {
        %dma_wait3A_205 = arith.constant 5 : i32
        %dma_wait3A_206 = arith.constant 0 : i32
        %dma_wait3A_207 = arith.constant 0 : i32
        %dma_wait3A_208 = tpu.memref_slice %arg8[%dma_wait3A_205, %dma_wait3A_206, %dma_wait3A_207] : memref<6x128x128xf32, #tpu.memory_space<vmem>> -> memref<1x128x128xf32, #tpu.memory_space<vmem>>
        %dma_wait3A_209 = tpu.memref_squeeze %dma_wait3A_208 : memref<1x128x128xf32, #tpu.memory_space<vmem>> -> memref<128x128xf32, #tpu.memory_space<vmem>>
        %dma_wait3A_210 = arith.constant 0 : i32
        %dma_wait3A_211 = arith.constant 0 : i32
        %dma_wait3A_212 = tpu.memref_slice %arg4[%dma_wait3A_210, %dma_wait3A_211] : memref<100000x128xf32, #tpu.memory_space<hbm>> -> memref<128x128xf32, #tpu.memory_space<hbm>>
        %dma_wait3A_213 = arith.constant 0 : i32
        %dma_wait3A_214 = arith.constant 0 : i32
        %dma_wait3A_215 = tpu.memref_slice %arg8[%dma_wait3A_205, %dma_wait3A_213, %dma_wait3A_214] : memref<6x128x128xf32, #tpu.memory_space<vmem>> -> memref<1x128x128xf32, #tpu.memory_space<vmem>>
        %dma_wait3A_216 = tpu.memref_squeeze %dma_wait3A_215 : memref<1x128x128xf32, #tpu.memory_space<vmem>> -> memref<128x128xf32, #tpu.memory_space<vmem>>
        %dma_wait3A_217 = arith.constant 0 : i32
        %dma_wait3A_218 = arith.constant 0 : i32
        %dma_wait3A_219 = tpu.memref_slice %arg4[%dma_wait3A_217, %dma_wait3A_218] : memref<100000x128xf32, #tpu.memory_space<hbm>> -> memref<128x128xf32, #tpu.memory_space<hbm>>
        tpu.wait_dma2 semaphore(%arg15 : memref<!tpu.dma_semaphore, #tpu.memory_space<semaphore_mem>>) src(%dma_wait3A_219 : memref<128x128xf32, #tpu.memory_space<hbm>>) dst(%dma_wait3A_216 : memref<128x128xf32, #tpu.memory_space<vmem>>)
        %dma_start3A_220 = arith.constant 5 : i32
        %dma_start3A_221 = arith.constant 0 : i32
        %dma_start3A_222 = arith.constant 0 : i32
        %dma_start3A_223 = tpu.memref_slice %arg8[%dma_start3A_220, %dma_start3A_221, %dma_start3A_222] : memref<6x128x128xf32, #tpu.memory_space<vmem>> -> memref<1x128x128xf32, #tpu.memory_space<vmem>>
        %dma_start3A_224 = tpu.memref_squeeze %dma_start3A_223 : memref<1x128x128xf32, #tpu.memory_space<vmem>> -> memref<128x128xf32, #tpu.memory_space<vmem>>
        %dma_start3A_225 = arith.constant 0 : i32
        %dma_start3A_226 = tpu.memref_slice %arg7[%add3A_199, %dma_start3A_225] : memref<50x128xi32, #tpu.memory_space<vmem>> -> memref<1x128xi32, #tpu.memory_space<vmem>>
        %dma_start3A_227 = tpu.memref_squeeze %dma_start3A_226 : memref<1x128xi32, #tpu.memory_space<vmem>> -> memref<128xi32, #tpu.memory_space<vmem>>
        %dma_start3A_228 = arith.constant 0 : i32
        %dma_start3A_229 = arith.constant 0 : i32
        %dma_start3A_230 = tpu.memref_slice %arg9[%dma_start3A_228, %dma_start3A_229] : memref<2048x128xf32, #tpu.memory_space<vmem_shared>> -> memref<2048x128xf32, #tpu.memory_space<vmem_shared>>
        tpu.enqueue_indirect_dma source(%dma_start3A_224 : memref<128x128xf32, #tpu.memory_space<vmem>>) target(%dma_start3A_230 : memref<2048x128xf32, #tpu.memory_space<vmem_shared>>) offsets(%dma_start3A_227 : memref<128xi32, #tpu.memory_space<vmem>>) semaphore(%arg21 : memref<!tpu.dma_semaphore, #tpu.memory_space<semaphore_mem>>) {add = true}
        %ge3A = arith.constant 1 : i32
        %ge3A_231 = arith.cmpi sge, %add3A_199, %ge3A : i32
        %sub3A = arith.constant 1 : i32
        %sub3A_232 = arith.subi %add3A_199, %sub3A : i32
        %add3A_233 = arith.constant 6 : i32
        %add3A_234 = arith.addi %sub3A_232, %add3A_233 : i32
        %lt3A_235 = arith.constant 50 : i32
        %lt3A_236 = arith.cmpi slt, %add3A_234, %lt3A_235 : i32
        %and3A = arith.andi %ge3A_231, %lt3A_236 : i1
        %convert_element_type3A_237 = arith.extui %and3A : i1 to i32
        %cond3A_238 = arith.constant 0 : i32
        %cond3A_239 = arith.cmpi ne, %convert_element_type3A_237, %cond3A_238 : i32
        scf.if %cond3A_239 {
          %dma_wait3A_240 = arith.constant 4 : i32
          %dma_wait3A_241 = arith.constant 0 : i32
          %dma_wait3A_242 = arith.constant 0 : i32
          %dma_wait3A_243 = arith.constant 0 : i32
          %dma_wait3A_244 = tpu.memref_slice %arg8[%dma_wait3A_240, %dma_wait3A_242, %dma_wait3A_243] : memref<6x128x128xf32, #tpu.memory_space<vmem>> -> memref<1x128x128xf32, #tpu.memory_space<vmem>>
          %dma_wait3A_245 = tpu.memref_squeeze %dma_wait3A_244 : memref<1x128x128xf32, #tpu.memory_space<vmem>> -> memref<128x128xf32, #tpu.memory_space<vmem>>
          %dma_wait3A_246 = arith.constant 0 : i32
          %dma_wait3A_247 = tpu.memref_slice %arg7[%dma_wait3A_241, %dma_wait3A_246] : memref<50x128xi32, #tpu.memory_space<vmem>> -> memref<1x128xi32, #tpu.memory_space<vmem>>
          %dma_wait3A_248 = tpu.memref_squeeze %dma_wait3A_247 : memref<1x128xi32, #tpu.memory_space<vmem>> -> memref<128xi32, #tpu.memory_space<vmem>>
          %dma_wait3A_249 = arith.constant 0 : i32
          %dma_wait3A_250 = arith.constant 0 : i32
          %dma_wait3A_251 = tpu.memref_slice %arg9[%dma_wait3A_249, %dma_wait3A_250] : memref<2048x128xf32, #tpu.memory_space<vmem_shared>> -> memref<2048x128xf32, #tpu.memory_space<vmem_shared>>
          tpu.wait_indirect_dma semaphore(%arg20 : memref<!tpu.dma_semaphore, #tpu.memory_space<semaphore_mem>>) src(%dma_wait3A_245 : memref<128x128xf32, #tpu.memory_space<vmem>>) dst(%dma_wait3A_251 : memref<2048x128xf32, #tpu.memory_space<vmem_shared>>)
          %sub3A_252 = arith.constant 1 : i32
          %sub3A_253 = arith.subi %add3A_199, %sub3A_252 : i32
          %add3A_254 = arith.constant 6 : i32
          %add3A_255 = arith.addi %sub3A_253, %add3A_254 : i32
          %dma_start3A_256 = arith.constant 4 : i32
          %dma_start3A_257 = arith.constant 0 : i32
          %dma_start3A_258 = arith.constant 0 : i32
          %dma_start3A_259 = tpu.memref_slice %arg8[%dma_start3A_256, %dma_start3A_257, %dma_start3A_258] : memref<6x128x128xf32, #tpu.memory_space<vmem>> -> memref<1x128x128xf32, #tpu.memory_space<vmem>>
          %dma_start3A_260 = tpu.memref_squeeze %dma_start3A_259 : memref<1x128x128xf32, #tpu.memory_space<vmem>> -> memref<128x128xf32, #tpu.memory_space<vmem>>
          %dma_start3A_261 = arith.constant 0 : i32
          %dma_start3A_262 = tpu.memref_slice %arg6[%add3A_255, %dma_start3A_261] : memref<50x128xi32, #tpu.memory_space<vmem>> -> memref<1x128xi32, #tpu.memory_space<vmem>>
          %dma_start3A_263 = tpu.memref_squeeze %dma_start3A_262 : memref<1x128xi32, #tpu.memory_space<vmem>> -> memref<128xi32, #tpu.memory_space<vmem>>
          %dma_start3A_264 = arith.constant 0 : i32
          %dma_start3A_265 = arith.constant 0 : i32
          %dma_start3A_266 = tpu.memref_slice %arg4[%dma_start3A_264, %dma_start3A_265] : memref<100000x128xf32, #tpu.memory_space<hbm>> -> memref<100000x128xf32, #tpu.memory_space<hbm>>
          tpu.enqueue_indirect_dma source(%dma_start3A_266 : memref<100000x128xf32, #tpu.memory_space<hbm>>) target(%dma_start3A_260 : memref<128x128xf32, #tpu.memory_space<vmem>>) offsets(%dma_start3A_263 : memref<128xi32, #tpu.memory_space<vmem>>) semaphore(%arg14 : memref<!tpu.dma_semaphore, #tpu.memory_space<semaphore_mem>>)
        } else {
        }
      } else {
      }
    }
    %scan3A_84 = arith.constant 9 : i32
    %dma_wait3A = arith.constant 0 : i32
    %dma_wait3A_85 = arith.constant 0 : i32
    %dma_wait3A_86 = arith.constant 0 : i32
    %dma_wait3A_87 = arith.constant 0 : i32
    %dma_wait3A_88 = tpu.memref_slice %arg8[%dma_wait3A, %dma_wait3A_86, %dma_wait3A_87] : memref<6x128x128xf32, #tpu.memory_space<vmem>> -> memref<1x128x128xf32, #tpu.memory_space<vmem>>
    %dma_wait3A_89 = tpu.memref_squeeze %dma_wait3A_88 : memref<1x128x128xf32, #tpu.memory_space<vmem>> -> memref<128x128xf32, #tpu.memory_space<vmem>>
    %dma_wait3A_90 = arith.constant 0 : i32
    %dma_wait3A_91 = tpu.memref_slice %arg7[%dma_wait3A_85, %dma_wait3A_90] : memref<50x128xi32, #tpu.memory_space<vmem>> -> memref<1x128xi32, #tpu.memory_space<vmem>>
    %dma_wait3A_92 = tpu.memref_squeeze %dma_wait3A_91 : memref<1x128xi32, #tpu.memory_space<vmem>> -> memref<128xi32, #tpu.memory_space<vmem>>
    %dma_wait3A_93 = arith.constant 0 : i32
    %dma_wait3A_94 = arith.constant 0 : i32
    %dma_wait3A_95 = tpu.memref_slice %arg9[%dma_wait3A_93, %dma_wait3A_94] : memref<2048x128xf32, #tpu.memory_space<vmem_shared>> -> memref<2048x128xf32, #tpu.memory_space<vmem_shared>>
    tpu.wait_indirect_dma semaphore(%arg16 : memref<!tpu.dma_semaphore, #tpu.memory_space<semaphore_mem>>) src(%dma_wait3A_89 : memref<128x128xf32, #tpu.memory_space<vmem>>) dst(%dma_wait3A_95 : memref<2048x128xf32, #tpu.memory_space<vmem_shared>>)
    %dma_wait3A_96 = arith.constant 1 : i32
    %dma_wait3A_97 = arith.constant 0 : i32
    %dma_wait3A_98 = arith.constant 0 : i32
    %dma_wait3A_99 = arith.constant 0 : i32
    %dma_wait3A_100 = tpu.memref_slice %arg8[%dma_wait3A_96, %dma_wait3A_98, %dma_wait3A_99] : memref<6x128x128xf32, #tpu.memory_space<vmem>> -> memref<1x128x128xf32, #tpu.memory_space<vmem>>
    %dma_wait3A_101 = tpu.memref_squeeze %dma_wait3A_100 : memref<1x128x128xf32, #tpu.memory_space<vmem>> -> memref<128x128xf32, #tpu.memory_space<vmem>>
    %dma_wait3A_102 = arith.constant 0 : i32
    %dma_wait3A_103 = tpu.memref_slice %arg7[%dma_wait3A_97, %dma_wait3A_102] : memref<50x128xi32, #tpu.memory_space<vmem>> -> memref<1x128xi32, #tpu.memory_space<vmem>>
    %dma_wait3A_104 = tpu.memref_squeeze %dma_wait3A_103 : memref<1x128xi32, #tpu.memory_space<vmem>> -> memref<128xi32, #tpu.memory_space<vmem>>
    %dma_wait3A_105 = arith.constant 0 : i32
    %dma_wait3A_106 = arith.constant 0 : i32
    %dma_wait3A_107 = tpu.memref_slice %arg9[%dma_wait3A_105, %dma_wait3A_106] : memref<2048x128xf32, #tpu.memory_space<vmem_shared>> -> memref<2048x128xf32, #tpu.memory_space<vmem_shared>>
    tpu.wait_indirect_dma semaphore(%arg17 : memref<!tpu.dma_semaphore, #tpu.memory_space<semaphore_mem>>) src(%dma_wait3A_101 : memref<128x128xf32, #tpu.memory_space<vmem>>) dst(%dma_wait3A_107 : memref<2048x128xf32, #tpu.memory_space<vmem_shared>>)
    %dma_wait3A_108 = arith.constant 2 : i32
    %dma_wait3A_109 = arith.constant 0 : i32
    %dma_wait3A_110 = arith.constant 0 : i32
    %dma_wait3A_111 = arith.constant 0 : i32
    %dma_wait3A_112 = tpu.memref_slice %arg8[%dma_wait3A_108, %dma_wait3A_110, %dma_wait3A_111] : memref<6x128x128xf32, #tpu.memory_space<vmem>> -> memref<1x128x128xf32, #tpu.memory_space<vmem>>
    %dma_wait3A_113 = tpu.memref_squeeze %dma_wait3A_112 : memref<1x128x128xf32, #tpu.memory_space<vmem>> -> memref<128x128xf32, #tpu.memory_space<vmem>>
    %dma_wait3A_114 = arith.constant 0 : i32
    %dma_wait3A_115 = tpu.memref_slice %arg7[%dma_wait3A_109, %dma_wait3A_114] : memref<50x128xi32, #tpu.memory_space<vmem>> -> memref<1x128xi32, #tpu.memory_space<vmem>>
    %dma_wait3A_116 = tpu.memref_squeeze %dma_wait3A_115 : memref<1x128xi32, #tpu.memory_space<vmem>> -> memref<128xi32, #tpu.memory_space<vmem>>
    %dma_wait3A_117 = arith.constant 0 : i32
    %dma_wait3A_118 = arith.constant 0 : i32
    %dma_wait3A_119 = tpu.memref_slice %arg9[%dma_wait3A_117, %dma_wait3A_118] : memref<2048x128xf32, #tpu.memory_space<vmem_shared>> -> memref<2048x128xf32, #tpu.memory_space<vmem_shared>>
    tpu.wait_indirect_dma semaphore(%arg18 : memref<!tpu.dma_semaphore, #tpu.memory_space<semaphore_mem>>) src(%dma_wait3A_113 : memref<128x128xf32, #tpu.memory_space<vmem>>) dst(%dma_wait3A_119 : memref<2048x128xf32, #tpu.memory_space<vmem_shared>>)
    %dma_wait3A_120 = arith.constant 3 : i32
    %dma_wait3A_121 = arith.constant 0 : i32
    %dma_wait3A_122 = arith.constant 0 : i32
    %dma_wait3A_123 = arith.constant 0 : i32
    %dma_wait3A_124 = tpu.memref_slice %arg8[%dma_wait3A_120, %dma_wait3A_122, %dma_wait3A_123] : memref<6x128x128xf32, #tpu.memory_space<vmem>> -> memref<1x128x128xf32, #tpu.memory_space<vmem>>
    %dma_wait3A_125 = tpu.memref_squeeze %dma_wait3A_124 : memref<1x128x128xf32, #tpu.memory_space<vmem>> -> memref<128x128xf32, #tpu.memory_space<vmem>>
    %dma_wait3A_126 = arith.constant 0 : i32
    %dma_wait3A_127 = tpu.memref_slice %arg7[%dma_wait3A_121, %dma_wait3A_126] : memref<50x128xi32, #tpu.memory_space<vmem>> -> memref<1x128xi32, #tpu.memory_space<vmem>>
    %dma_wait3A_128 = tpu.memref_squeeze %dma_wait3A_127 : memref<1x128xi32, #tpu.memory_space<vmem>> -> memref<128xi32, #tpu.memory_space<vmem>>
    %dma_wait3A_129 = arith.constant 0 : i32
    %dma_wait3A_130 = arith.constant 0 : i32
    %dma_wait3A_131 = tpu.memref_slice %arg9[%dma_wait3A_129, %dma_wait3A_130] : memref<2048x128xf32, #tpu.memory_space<vmem_shared>> -> memref<2048x128xf32, #tpu.memory_space<vmem_shared>>
    tpu.wait_indirect_dma semaphore(%arg19 : memref<!tpu.dma_semaphore, #tpu.memory_space<semaphore_mem>>) src(%dma_wait3A_125 : memref<128x128xf32, #tpu.memory_space<vmem>>) dst(%dma_wait3A_131 : memref<2048x128xf32, #tpu.memory_space<vmem_shared>>)
    %dma_wait3A_132 = arith.constant 4 : i32
    %dma_wait3A_133 = arith.constant 0 : i32
    %dma_wait3A_134 = arith.constant 0 : i32
    %dma_wait3A_135 = arith.constant 0 : i32
    %dma_wait3A_136 = tpu.memref_slice %arg8[%dma_wait3A_132, %dma_wait3A_134, %dma_wait3A_135] : memref<6x128x128xf32, #tpu.memory_space<vmem>> -> memref<1x128x128xf32, #tpu.memory_space<vmem>>
    %dma_wait3A_137 = tpu.memref_squeeze %dma_wait3A_136 : memref<1x128x128xf32, #tpu.memory_space<vmem>> -> memref<128x128xf32, #tpu.memory_space<vmem>>
    %dma_wait3A_138 = arith.constant 0 : i32
    %dma_wait3A_139 = tpu.memref_slice %arg7[%dma_wait3A_133, %dma_wait3A_138] : memref<50x128xi32, #tpu.memory_space<vmem>> -> memref<1x128xi32, #tpu.memory_space<vmem>>
    %dma_wait3A_140 = tpu.memref_squeeze %dma_wait3A_139 : memref<1x128xi32, #tpu.memory_space<vmem>> -> memref<128xi32, #tpu.memory_space<vmem>>
    %dma_wait3A_141 = arith.constant 0 : i32
    %dma_wait3A_142 = arith.constant 0 : i32
    %dma_wait3A_143 = tpu.memref_slice %arg9[%dma_wait3A_141, %dma_wait3A_142] : memref<2048x128xf32, #tpu.memory_space<vmem_shared>> -> memref<2048x128xf32, #tpu.memory_space<vmem_shared>>
    tpu.wait_indirect_dma semaphore(%arg20 : memref<!tpu.dma_semaphore, #tpu.memory_space<semaphore_mem>>) src(%dma_wait3A_137 : memref<128x128xf32, #tpu.memory_space<vmem>>) dst(%dma_wait3A_143 : memref<2048x128xf32, #tpu.memory_space<vmem_shared>>)
    %dma_wait3A_144 = arith.constant 5 : i32
    %dma_wait3A_145 = arith.constant 0 : i32
    %dma_wait3A_146 = arith.constant 0 : i32
    %dma_wait3A_147 = arith.constant 0 : i32
    %dma_wait3A_148 = tpu.memref_slice %arg8[%dma_wait3A_144, %dma_wait3A_146, %dma_wait3A_147] : memref<6x128x128xf32, #tpu.memory_space<vmem>> -> memref<1x128x128xf32, #tpu.memory_space<vmem>>
    %dma_wait3A_149 = tpu.memref_squeeze %dma_wait3A_148 : memref<1x128x128xf32, #tpu.memory_space<vmem>> -> memref<128x128xf32, #tpu.memory_space<vmem>>
    %dma_wait3A_150 = arith.constant 0 : i32
    %dma_wait3A_151 = tpu.memref_slice %arg7[%dma_wait3A_145, %dma_wait3A_150] : memref<50x128xi32, #tpu.memory_space<vmem>> -> memref<1x128xi32, #tpu.memory_space<vmem>>
    %dma_wait3A_152 = tpu.memref_squeeze %dma_wait3A_151 : memref<1x128xi32, #tpu.memory_space<vmem>> -> memref<128xi32, #tpu.memory_space<vmem>>
    %dma_wait3A_153 = arith.constant 0 : i32
    %dma_wait3A_154 = arith.constant 0 : i32
    %dma_wait3A_155 = tpu.memref_slice %arg9[%dma_wait3A_153, %dma_wait3A_154] : memref<2048x128xf32, #tpu.memory_space<vmem_shared>> -> memref<2048x128xf32, #tpu.memory_space<vmem_shared>>
    tpu.wait_indirect_dma semaphore(%arg21 : memref<!tpu.dma_semaphore, #tpu.memory_space<semaphore_mem>>) src(%dma_wait3A_149 : memref<128x128xf32, #tpu.memory_space<vmem>>) dst(%dma_wait3A_155 : memref<2048x128xf32, #tpu.memory_space<vmem_shared>>)
    %mul3A_156 = arith.constant 128 : i32
    %mul3A_157 = arith.muli %arg1, %mul3A_156 : i32
    %mul3A_158 = arith.constant 2048 : i32
    %mul3A_159 = arith.muli %arg0, %mul3A_158 : i32
    %mul3A_160 = arith.constant 128 : i32
    %mul3A_161 = arith.muli %arg1, %mul3A_160 : i32
    %add3A_162 = arith.addi %mul3A_159, %mul3A_161 : i32
    "tpu.region"() ({
      %run_scoped3A_163 = tpu.sem_alloc : memref<!tpu.dma_semaphore, #tpu.memory_space<semaphore_mem>>
      %dma_start3A_164 = arith.constant 0 : i32
      %dma_start3A_165 = tpu.memref_slice %arg5[%add3A_162, %dma_start3A_164] : memref<4096x128xf32, #tpu.memory_space<hbm>> -> memref<128x128xf32, #tpu.memory_space<hbm>>
      %dma_start3A_166 = arith.constant 0 : i32
      %dma_start3A_167 = tpu.memref_slice %arg9[%mul3A_157, %dma_start3A_166] : memref<2048x128xf32, #tpu.memory_space<vmem_shared>> -> memref<128x128xf32, #tpu.memory_space<vmem_shared>>
      tpu.enqueue_dma source(%dma_start3A_167 : memref<128x128xf32, #tpu.memory_space<vmem_shared>>) target(%dma_start3A_165 : memref<128x128xf32, #tpu.memory_space<hbm>>) target_semaphore(%run_scoped3A_163 : memref<!tpu.dma_semaphore, #tpu.memory_space<semaphore_mem>>)
      %dma_wait3A_168 = arith.constant 0 : i32
      %dma_wait3A_169 = tpu.memref_slice %arg5[%add3A_162, %dma_wait3A_168] : memref<4096x128xf32, #tpu.memory_space<hbm>> -> memref<128x128xf32, #tpu.memory_space<hbm>>
      %dma_wait3A_170 = arith.constant 0 : i32
      %dma_wait3A_171 = tpu.memref_slice %arg9[%mul3A_157, %dma_wait3A_170] : memref<2048x128xf32, #tpu.memory_space<vmem_shared>> -> memref<128x128xf32, #tpu.memory_space<vmem_shared>>
      tpu.wait_dma2 semaphore(%run_scoped3A_163 : memref<!tpu.dma_semaphore, #tpu.memory_space<semaphore_mem>>) src(%dma_wait3A_171 : memref<128x128xf32, #tpu.memory_space<vmem_shared>>) dst(%dma_wait3A_169 : memref<128x128xf32, #tpu.memory_space<hbm>>)
      tpu.yield
    }) : () -> ()
    return
  }
}

module attributes {stable_mosaic.version = 14 : i64} {
  func.func @_mlp_body(%arg0: memref<4096x128xf32, #tpu.memory_space<vmem>>, %arg1: memref<256x128xf32, #tpu.memory_space<vmem>>, %arg2: memref<1x256xf32, #tpu.memory_space<vmem>>, %arg3: memref<1x256xf32, #tpu.memory_space<vmem>>, %arg4: memref<1x256xf32, #tpu.memory_space<vmem>>, %arg5: memref<128x256xf32, #tpu.memory_space<vmem>>, %arg6: memref<1x128xf32, #tpu.memory_space<vmem>>, %arg7: memref<1x128xf32, #tpu.memory_space<vmem>>, %arg8: memref<1x128xf32, #tpu.memory_space<vmem>>, %arg9: memref<50x128xf32, #tpu.memory_space<vmem>>, %arg10: memref<1x50xf32, #tpu.memory_space<vmem>>, %arg11: memref<4096x50xf32, #tpu.memory_space<vmem>>) attributes {dimension_semantics = [], scalar_prefetch = 0 : i64, scratch_operands = 0 : i64, tpu.core_type = #tpu.core_type<tc>} {
    %get3A = arith.constant 0 : index
    %get3A_0 = arith.constant 0 : index
    %get3A_1 = vector.load %arg0[%get3A, %get3A_0] : memref<4096x128xf32, #tpu.memory_space<vmem>>, vector<4096x128xf32>
    %mul3A = arith.constant 2.000000e-02 : f32
    %mul3A_2 = vector.broadcast %mul3A : f32 to vector<4096x128xf32>
    %mul3A_3 = arith.mulf %get3A_1, %mul3A_2 : vector<4096x128xf32>
    %get3A_4 = arith.constant 0 : index
    %get3A_5 = arith.constant 0 : index
    %get3A_6 = vector.load %arg1[%get3A_4, %get3A_5] : memref<256x128xf32, #tpu.memory_space<vmem>>, vector<256x128xf32>
    %dot_general3A = arith.constant dense<0.000000e+00> : vector<4096x256xf32>
    %dot_general3A_7 = tpu.matmul %mul3A_3, %get3A_6, %dot_general3A {dimension_numbers = #tpu.dot_dimension_numbers<[1], [1], [0], [0], [0, 0, 1, 0], [], []>, transpose_lhs_hint = false} : vector<4096x128xf32>, vector<256x128xf32>, vector<4096x256xf32> -> vector<4096x256xf32>
    %get3A_8 = arith.constant 0 : index
    %get3A_9 = arith.constant 0 : index
    %get3A_10 = vector.load %arg2[%get3A_8, %get3A_9] : memref<1x256xf32, #tpu.memory_space<vmem>>, vector<1x256xf32>
    %add3A = vector.broadcast %get3A_10 : vector<1x256xf32> to vector<4096x256xf32>
    %add3A_11 = arith.addf %dot_general3A_7, %add3A : vector<4096x256xf32>
    %reduce_sum3A = arith.constant dense<0.000000e+00> : vector<256xf32>
    %reduce_sum3A_12 = vector.multi_reduction <add>, %add3A_11, %reduce_sum3A [0] : vector<4096x256xf32> to vector<256xf32>
    %broadcast_in_dim3A = vector.shape_cast %reduce_sum3A_12 : vector<256xf32> to vector<1x256xf32>
    %div3A = arith.constant 4.096000e+03 : f32
    %div3A_13 = vector.broadcast %div3A : f32 to vector<1x256xf32>
    %div3A_14 = arith.divf %broadcast_in_dim3A, %div3A_13 : vector<1x256xf32>
    %sub3A = vector.broadcast %div3A_14 : vector<1x256xf32> to vector<4096x256xf32>
    %sub3A_15 = arith.subf %add3A_11, %sub3A : vector<4096x256xf32>
    %mul3A_16 = arith.mulf %sub3A_15, %sub3A_15 : vector<4096x256xf32>
    %reduce_sum3A_17 = arith.constant dense<0.000000e+00> : vector<256xf32>
    %reduce_sum3A_18 = vector.multi_reduction <add>, %mul3A_16, %reduce_sum3A_17 [0] : vector<4096x256xf32> to vector<256xf32>
    %broadcast_in_dim3A_19 = vector.shape_cast %reduce_sum3A_18 : vector<256xf32> to vector<1x256xf32>
    %div3A_20 = arith.constant 4.096000e+03 : f32
    %div3A_21 = vector.broadcast %div3A_20 : f32 to vector<1x256xf32>
    %div3A_22 = arith.divf %broadcast_in_dim3A_19, %div3A_21 : vector<1x256xf32>
    %get3A_23 = arith.constant 0 : index
    %get3A_24 = arith.constant 0 : index
    %get3A_25 = vector.load %arg3[%get3A_23, %get3A_24] : memref<1x256xf32, #tpu.memory_space<vmem>>, vector<1x256xf32>
    %mul3A_26 = vector.broadcast %get3A_25 : vector<1x256xf32> to vector<4096x256xf32>
    %mul3A_27 = arith.mulf %mul3A_26, %sub3A_15 : vector<4096x256xf32>
    %add3A_28 = arith.constant 9.99999974E-6 : f32
    %add3A_29 = vector.broadcast %add3A_28 : f32 to vector<1x256xf32>
    %add3A_30 = arith.addf %div3A_22, %add3A_29 : vector<1x256xf32>
    %sqrt3A = math.sqrt %add3A_30 : vector<1x256xf32>
    %div3A_31 = vector.broadcast %sqrt3A : vector<1x256xf32> to vector<4096x256xf32>
    %div3A_32 = arith.divf %mul3A_27, %div3A_31 : vector<4096x256xf32>
    %get3A_33 = arith.constant 0 : index
    %get3A_34 = arith.constant 0 : index
    %get3A_35 = vector.load %arg4[%get3A_33, %get3A_34] : memref<1x256xf32, #tpu.memory_space<vmem>>, vector<1x256xf32>
    %add3A_36 = vector.broadcast %get3A_35 : vector<1x256xf32> to vector<4096x256xf32>
    %add3A_37 = arith.addf %div3A_32, %add3A_36 : vector<4096x256xf32>
    %max3A = arith.constant 0.000000e+00 : f32
    %max3A_38 = vector.broadcast %max3A : f32 to vector<4096x256xf32>
    %max3A_39 = arith.maximumf %add3A_37, %max3A_38 : vector<4096x256xf32>
    %get3A_40 = arith.constant 0 : index
    %get3A_41 = arith.constant 0 : index
    %get3A_42 = vector.load %arg5[%get3A_40, %get3A_41] : memref<128x256xf32, #tpu.memory_space<vmem>>, vector<128x256xf32>
    %dot_general3A_43 = arith.constant dense<0.000000e+00> : vector<4096x128xf32>
    %dot_general3A_44 = tpu.matmul %max3A_39, %get3A_42, %dot_general3A_43 {dimension_numbers = #tpu.dot_dimension_numbers<[1], [1], [0], [0], [0, 0, 1, 0], [], []>, transpose_lhs_hint = false} : vector<4096x256xf32>, vector<128x256xf32>, vector<4096x128xf32> -> vector<4096x128xf32>
    %get3A_45 = arith.constant 0 : index
    %get3A_46 = arith.constant 0 : index
    %get3A_47 = vector.load %arg6[%get3A_45, %get3A_46] : memref<1x128xf32, #tpu.memory_space<vmem>>, vector<1x128xf32>
    %add3A_48 = vector.broadcast %get3A_47 : vector<1x128xf32> to vector<4096x128xf32>
    %add3A_49 = arith.addf %dot_general3A_44, %add3A_48 : vector<4096x128xf32>
    %reduce_sum3A_50 = arith.constant dense<0.000000e+00> : vector<128xf32>
    %reduce_sum3A_51 = vector.multi_reduction <add>, %add3A_49, %reduce_sum3A_50 [0] : vector<4096x128xf32> to vector<128xf32>
    %broadcast_in_dim3A_52 = vector.shape_cast %reduce_sum3A_51 : vector<128xf32> to vector<1x128xf32>
    %div3A_53 = arith.constant 4.096000e+03 : f32
    %div3A_54 = vector.broadcast %div3A_53 : f32 to vector<1x128xf32>
    %div3A_55 = arith.divf %broadcast_in_dim3A_52, %div3A_54 : vector<1x128xf32>
    %sub3A_56 = vector.broadcast %div3A_55 : vector<1x128xf32> to vector<4096x128xf32>
    %sub3A_57 = arith.subf %add3A_49, %sub3A_56 : vector<4096x128xf32>
    %mul3A_58 = arith.mulf %sub3A_57, %sub3A_57 : vector<4096x128xf32>
    %reduce_sum3A_59 = arith.constant dense<0.000000e+00> : vector<128xf32>
    %reduce_sum3A_60 = vector.multi_reduction <add>, %mul3A_58, %reduce_sum3A_59 [0] : vector<4096x128xf32> to vector<128xf32>
    %broadcast_in_dim3A_61 = vector.shape_cast %reduce_sum3A_60 : vector<128xf32> to vector<1x128xf32>
    %div3A_62 = arith.constant 4.096000e+03 : f32
    %div3A_63 = vector.broadcast %div3A_62 : f32 to vector<1x128xf32>
    %div3A_64 = arith.divf %broadcast_in_dim3A_61, %div3A_63 : vector<1x128xf32>
    %get3A_65 = arith.constant 0 : index
    %get3A_66 = arith.constant 0 : index
    %get3A_67 = vector.load %arg7[%get3A_65, %get3A_66] : memref<1x128xf32, #tpu.memory_space<vmem>>, vector<1x128xf32>
    %mul3A_68 = vector.broadcast %get3A_67 : vector<1x128xf32> to vector<4096x128xf32>
    %mul3A_69 = arith.mulf %mul3A_68, %sub3A_57 : vector<4096x128xf32>
    %add3A_70 = arith.constant 9.99999974E-6 : f32
    %add3A_71 = vector.broadcast %add3A_70 : f32 to vector<1x128xf32>
    %add3A_72 = arith.addf %div3A_64, %add3A_71 : vector<1x128xf32>
    %sqrt3A_73 = math.sqrt %add3A_72 : vector<1x128xf32>
    %div3A_74 = vector.broadcast %sqrt3A_73 : vector<1x128xf32> to vector<4096x128xf32>
    %div3A_75 = arith.divf %mul3A_69, %div3A_74 : vector<4096x128xf32>
    %get3A_76 = arith.constant 0 : index
    %get3A_77 = arith.constant 0 : index
    %get3A_78 = vector.load %arg8[%get3A_76, %get3A_77] : memref<1x128xf32, #tpu.memory_space<vmem>>, vector<1x128xf32>
    %add3A_79 = vector.broadcast %get3A_78 : vector<1x128xf32> to vector<4096x128xf32>
    %add3A_80 = arith.addf %div3A_75, %add3A_79 : vector<4096x128xf32>
    %max3A_81 = arith.constant 0.000000e+00 : f32
    %max3A_82 = vector.broadcast %max3A_81 : f32 to vector<4096x128xf32>
    %max3A_83 = arith.maximumf %add3A_80, %max3A_82 : vector<4096x128xf32>
    %get3A_84 = arith.constant 0 : index
    %get3A_85 = arith.constant 0 : index
    %get3A_86 = vector.load %arg9[%get3A_84, %get3A_85] : memref<50x128xf32, #tpu.memory_space<vmem>>, vector<50x128xf32>
    %dot_general3A_87 = arith.constant dense<0.000000e+00> : vector<4096x50xf32>
    %dot_general3A_88 = tpu.matmul %max3A_83, %get3A_86, %dot_general3A_87 {dimension_numbers = #tpu.dot_dimension_numbers<[1], [1], [0], [0], [0, 0, 1, 0], [], []>, transpose_lhs_hint = false} : vector<4096x128xf32>, vector<50x128xf32>, vector<4096x50xf32> -> vector<4096x50xf32>
    %get3A_89 = arith.constant 0 : index
    %get3A_90 = arith.constant 0 : index
    %get3A_91 = vector.load %arg10[%get3A_89, %get3A_90] : memref<1x50xf32, #tpu.memory_space<vmem>>, vector<1x50xf32>
    %add3A_92 = vector.broadcast %get3A_91 : vector<1x50xf32> to vector<4096x50xf32>
    %add3A_93 = arith.addf %dot_general3A_88, %add3A_92 : vector<4096x50xf32>
    %swap3A = arith.constant 0 : index
    %swap3A_94 = arith.constant 0 : index
    %swap3A_95 = vector.load %arg11[%swap3A, %swap3A_94] : memref<4096x50xf32, #tpu.memory_space<vmem>>, vector<4096x50xf32>
    tpu.vector_store %arg11[%swap3A, %swap3A_94], %add3A_93 {strides = array<i32>} : memref<4096x50xf32, #tpu.memory_space<vmem>>, vector<4096x50xf32>,
    return
  }
}

</mosaic_0001>

<sc_bundles>
// kernel: kernel.4.cloned.1.call-start
scs
__scs_entry_jumppad:
0x0: {  	(pc) =	sbr.rel $0x88, $3  }
0x1: {  	(tag) =	ssettag $0x0;
	lr =	simm.s32 $0x1  }
0x2: {  	[smem:$0x3F95] =	sst lr;
	_ =	strace $0xD0000000  }
0x3: {  	_ = 	snop  }
0x4: {  	_ = 	snop  }
0x5: {  	_ = 	snop  }
0x6: {  	_ = 	snop  }
0x7: {  	_ = 	snop  }
__scs_overlays_trampoline_lowered:
0x8: {  	[smem:$0x3FA4] =	sst s0  }
0x9: {  	[smem:$0x3FA5] =	sst s1  }
0xa: {  	[smem:$0x3FA6] =	sst s2  }
0xb: {  	[smem:$0x3FA7] =	sst s3  }
0xc: {  	[smem:$0x3FA8] =	sst s4  }
0xd: {  	[smem:$0x3FA9] =	sst s5  }
0xe: {  	[smem:$0x3FAA] =	sst s6  }
0xf: {  	[smem:$0x3FAB] =	sst s7  }
0x10: {  	[smem:$0x3FAC] =	sst s8  }
0x11: {  	[smem:$0x3FAD] =	sst s9;
	s0 =	simm.s32 @!p0 $0x0  }
0x12: {  	s1 =	sld [smem:$0x3F93];
	s0 =	simm.s32 @p0 $0x1  }
0x13: {  	[smem:$0x3FAE] =	sst s0;
	s0 =	simm.s32 @!p1 $0x0  }
0x14: {  	s2 =	sld [smem:$0x3F92];
	s0 =	simm.s32 @p1 $0x1  }
0x15: {  	[smem:$0x3FAF] =	sst s0;
	s0 =	simm.s32 @!p2 $0x0  }
0x16: {  	s3 =	sld [smem:$0x3FDB];
	s0 =	simm.s32 @p2 $0x1  }
0x17: {  	s4 =	simm.s32 $0x1BF5;
	[smem:$0x3FB1] =	sst s0  }
0x18: {  	s0 =	sld [smem:$0x3F94];
	_ =	swait.ge [sflag:s4], $0x0  }
0x19: {  	s7 =	sld [smem:$0x3F95]  }
0x1a: {  	s8 =	sadd.s32 $0xFFFFE003, lr  }
0x1b: {  	s9 =	sadd.s32 $0xFFFFFEF7, lr;
	s5 =	simm.s32 $0xFFFFFFFF;
	p2 =	slt.u32 s8, $0xFFFFF086  }
0x1c: {  	p1 =	slt.u32 s9, $0xF7A;
	s5 =	simm.s32 @!p2 $0x0  }
0x1d: {  	s5 =	simm.s32 @p1 $0x1;
	p0 =	seq.s32 s7, s2  }
0x1e: {  	s7 =	smul.u32 @!p0 $0xF7A, s2;
	p2 =	seq.s32 @!p0 s5, $0x0  }
0x1f: {  	s9 =	smul.u32 $0xF7A, s1;
	s8 =	simm.s32 @!p0 $0x1BF5;
	p2 =	por !p2, p0  }
0x20: {  	[sflag:s8] =	ssyncset.s32 @!p0 $0xFFFFF086;
	s6 =	sadd.s32 @!p0 s3, s7;
	s7 =	simm.s32 @!p0 $0x108  }
0x21: {  	s3 =	sadd.s32 s3, s9;
	s6 =	sadd.s32 @!p0 $0x88, s6;
	s7 =	simm.s32 @p2 $0x1082  }
0x22: {  	[simem:s7], [sflag:s8] =	dma.local @!p0 [hbm:s6], $0xF7A  }
0x23: {  	s9 =	sor.u32 $0xD0000000, s2;
	s6 =	simm.s32 $0x108;
	_ =	swait.ge @!p0 [sflag:s8], $0x0  }
0x24: {  	s3 =	sadd.s32 $0x88, s3;
	s6 =	simm.s32 @!p1 $0x1082;
	[sflag:s4] =	ssyncset.s32 $0xFFFFF086  }
0x25: {  	[simem:s6], [sflag:s4] =	dma.local [hbm:s3], $0xF7A  }
0x26: {  	[smem:$0x3F95] =	sst s1;
	(tag) =	ssettag s2;
	_ =	strace s9  }
0x27: {  	s1 =	sld [smem:$0x3FA5]  }
0x28: {  	s2 =	sld [smem:$0x3FA6]  }
0x29: {  	s4 =	sld [smem:$0x3FA8]  }
0x2a: {  	p0 =	seq.s32 s5, $0x0;
	s5 =	sld [smem:$0x3FA9]  }
0x2b: {  	s6 =	sld [smem:$0x3FAA]  }
0x2c: {  	s7 =	sld [smem:$0x3FAB]  }
0x2d: {  	s3 =	simm.s32 $0x108;
	s8 =	sld [smem:$0x3FAC]  }
0x2e: {  	s3 =	simm.s32 @!p0 $0x1082;
	s9 =	sld [smem:$0x3FAD]  }
0x2f: {  	lr =	sadd.s32 s0, s3;
	s0 =	sld [smem:$0x3FA4]  }
0x30: {  	s3 =	sld [smem:$0x3FA7]  }
0x31: {  	[smem:$0x3FB0] =	sst s10  }
0x32: {  	s10 =	sld [smem:$0x3FAE];
	_ =	sdelay $0x3  }
0x33: {  	p0 =	seq.s32 s10, $0x1;
	s10 =	sld [smem:$0x3FB0];
	_ =	sdelay $0x3  }
0x34: {  	[smem:$0x3FB0] =	sst s10  }
0x35: {  	s10 =	sld [smem:$0x3FAF];
	_ =	sdelay $0x3  }
0x36: {  	p1 =	seq.s32 s10, $0x1;
	s10 =	sld [smem:$0x3FB0];
	_ =	sdelay $0x3  }
0x37: {  	[smem:$0x3FB0] =	sst s10  }
0x38: {  	s10 =	sld [smem:$0x3FB1]  }
0x39: {  	_ = 	snop;
	(pc) =	sbr.ind lr, $3  }
0x3a: {  	_ = 	snop  }
0x3b: {  	_ = 	snop  }
0x3c: {  	p2 =	seq.s32 s10, $0x1;
	s10 =	sld [smem:$0x3FB0]  }
0x3d: {  	_ =	shalt  }
0x3e: {  	_ =	shalt  }
0x3f: {  	_ =	shalt  }
0x40: {  	_ =	shalt  }
0x41: {  	_ =	shalt  }
0x42: {  	_ =	shalt  }
0x43: {  	_ =	shalt  }
0x44: {  	_ =	shalt  }
0x45: {  	_ =	shalt  }
0x46: {  	_ =	shalt  }
0x47: {  	_ =	shalt  }
0x48: {  	_ =	shalt  }
0x49: {  	_ =	shalt  }
0x4a: {  	_ =	shalt  }
0x4b: {  	_ =	shalt  }
0x4c: {  	_ =	shalt  }
0x4d: {  	_ =	shalt  }
0x4e: {  	_ =	shalt  }
0x4f: {  	_ =	shalt  }
0x50: {  	_ =	shalt  }
0x51: {  	_ =	shalt  }
0x52: {  	_ =	shalt  }
0x53: {  	_ =	shalt  }
0x54: {  	_ =	shalt  }
0x55: {  	_ =	shalt  }
0x56: {  	_ =	shalt  }
0x57: {  	_ =	shalt  }
0x58: {  	_ =	shalt  }
0x59: {  	_ =	shalt  }
0x5a: {  	_ =	shalt  }
0x5b: {  	_ =	shalt  }
0x5c: {  	_ =	shalt  }
0x5d: {  	_ =	shalt  }
0x5e: {  	_ =	shalt  }
0x5f: {  	_ =	shalt  }
0x60: {  	_ =	shalt  }
0x61: {  	_ =	shalt  }
0x62: {  	_ =	shalt  }
0x63: {  	_ =	shalt  }
0x64: {  	_ =	shalt  }
0x65: {  	_ =	shalt  }
0x66: {  	_ =	shalt  }
0x67: {  	_ =	shalt  }
0x68: {  	_ =	shalt  }
0x69: {  	_ =	shalt  }
0x6a: {  	_ =	shalt  }
0x6b: {  	_ =	shalt  }
0x6c: {  	_ =	shalt  }
0x6d: {  	_ =	shalt  }
0x6e: {  	_ =	shalt  }
0x6f: {  	_ =	shalt  }
0x70: {  	_ =	shalt  }
0x71: {  	_ =	shalt  }
0x72: {  	_ =	shalt  }
0x73: {  	_ =	shalt  }
0x74: {  	_ =	shalt  }
0x75: {  	_ =	shalt  }
0x76: {  	_ =	shalt  }
0x77: {  	_ =	shalt  }
0x78: {  	_ =	shalt  }
0x79: {  	_ =	shalt  }
0x7a: {  	_ =	shalt  }
0x7b: {  	_ =	shalt  }
0x7c: {  	_ =	shalt  }
0x7d: {  	_ =	shalt  }
0x7e: {  	_ =	shalt  }
0x7f: {  	_ =	shalt  }
0x80: {  	_ =	shalt  }
0x81: {  	_ =	shalt  }
0x82: {  	_ =	shalt  }
0x83: {  	_ =	shalt  }
0x84: {  	_ =	shalt  }
0x85: {  	_ =	shalt  }
0x86: {  	_ =	shalt  }
0x87: {  	_ =	shalt  }
.Lfunc_end0:
.L_simem_size_0:
called_computation_lowered:
.L_overlay_start_0:
0x88: {  	s2 =	sld [smem:$0x3FD9]  }
0x89: {  	s3 =	sld [smem:$0x3FFE];
	_ =	sdelay $0x1  }
0x8a: {  	s1 =	srdreg.scid  }
0x8b: {  	s0 =	sand.u32 $0x1, s1  }
0x8c: {  	s17 =	sshll.u32 s0, $0xA;
	s2 =	sadd.s32 s3, s2  }
0x8d: {  	s2 =	sadd.s32 s2, s17  }
0x8e: {  	[smem:$0x3FBC] =	sst s2  }
0x8f: {  	_ = 	snop  }
0x90: {  	s2 =	sld [smem:$0x3FC8]  }
0x91: {  	s18 =	sld [smem:$0x3FD0];
	(tm) =	ssettm $0x1  }
0x92: {  	s4 =	sld [smem:$0x3FFB];
	_ =	sdelay $0x3  }
0x93: {  	_ =	strace s4  }
0x94: {  	s4 =	sld [smem:$0x3FFC];
	_ =	sdelay $0x3  }
0x95: {  	_ =	strace s4  }
0x96: {  	s4 =	sld [smem:$0x3FFD];
	_ =	sdelay $0x3  }
0x97: {  	_ =	strace s4  }
0x98: {  	_ =	strace $0x8FFFFFFF  }
0x99: {  	s19 =	sld [smem:$0x3FDB];
	_ =	sdelay $0x1  }
0x9a: {  	s5 =	simm.s32 $_scs_section_size  }
0x9b: {  	s6 =	simm.s32 $_size__tile_overlayer_lowered;
	s7 =	simm.s32 $_tile_overlayer_lowered  }
0x9c: {  	s22 =	simm.s32 $0x1BFF;
	s21 =	sshll.u32 s7, $0x1;
	s4 =	sadd.s32 s5, s19  }
0x9d: {  	s8 =	simm.s32 $0x0;
	s20 =	sshll.u32 s6, $0x1;
	s6 =	sadd.s32 s21, s4  }
0x9e: {  	[timem:s8], [sflag:s22] =	dma.local [hbm:s6], s20  }
0x9f: {  	_ =	swait.ge [sflag:s22], s20  }
0xa0: {  	s5 =	ssub.s32 $0x0, s20;
	[sflag:s22] =	ssyncset.done $0x0  }
0xa1: {  	[sflag:s22] =	ssyncadd.s32 s5;
	_ =	sdelay $0x1  }
0xa2: {  	s23 =	simm.s32 $0x1B8B  }
0xa3: {  	_ =	swait.ge [sflag:s23], $0x1  }
0xa4: {  	[sflag:s23] =	ssyncset.done $0x0  }
0xa5: {  	s25 =	simm.s32 $0x1B8E;
	s24 =	sld [smem:$0x3FFE];
	[sflag:s23] =	ssyncadd.s32 $0xFFFFFFFF  }
0xa6: {  	s26 =	simm.s32 $execute0_lowered;
	[smem:$0x3FD2] =	sst s25  }
0xa7: {  	s6 =	sshll.u32 s26, $0x1;
	_ =	strace $0x80000046;
	[dreg:$0x1] =	wrdreg $0xFFFFFFFF  }
0xa8: {  	s28 =	simm.s32 $_size_execute0_lowered;
	s4 =	sadd.s32 s4, s6;
	[dreg:$0x0] =	wrdreg $0x0  }
0xa9: {  	s6 =	sshll.u32 s28, $0x1;
	[dreg:$0x2] =	wrdreg s4  }
0xaa: {  	[dreg:$0x3] =	wrdreg s6  }
0xab: {  	[dreg:$0x4] =	wrdreg $0xC0  }
0xac: {  	_ =	task [dreg:s8], $0x5FFFF  }
0xad: {  	[dreg:$0x1] =	wrdreg $0xFFFFFFFF  }
0xae: {  	[dreg:$0x0] =	wrdreg $0x60  }
0xaf: {  	[dreg:$0x2] =	wrdreg s18  }
0xb0: {  	[dreg:$0x3] =	wrdreg s24  }
0xb1: {  	[dreg:$0x4] =	wrdreg s2  }
0xb2: {  	[dreg:$0x5] =	wrdreg $0x1B8000  }
0xb3: {  	[dreg:$0x6] =	wrdreg $0x9  }
0xb4: {  	_ =	task.clear_ibuf [dreg:s8], $0x7FFFF;
	_ =	strace $0x90000046  }
0xb5: {  	s29 =	simm.s32 $0x9;
	_ =	strace $0x80000048  }
0xb6: {  	_ =	swait.ge [sflag:s29], $0x1  }
0xb7: {  	[sflag:s29] =	ssyncadd.s32 $0xFFFFFFFF  }
0xb8: {  	_ =	strace $0x90000048  }
0xb9: {  	_ =	sfence  }
0xba: {  	s30 =	sld [smem:$0x0];
	_ =	sdelay $0x2  }
0xbb: {  	s31 =	sshll.u32 s1, $0xD;
	s1 =	sshrl.u32 s1, $0x2  }
0xbc: {  	s3 =	sand.u32 $0x4000, s31;
	s1 =	sadd.s32 s1, s30  }
0xbd: {  	s0 =	sor.u32 s3, s0;
	s1 =	sshll.u32 s1, $0x11  }
0xbe: {  	s0 =	sor.u32 s1, s0  }
0xbf: {  	s0 =	sadd.s32 $0x8F2B, s0  }
0xc0: {  	[sflag:s0] =	ssyncadd.remote.s32 $0x1  }
0xc1: {  	_ =	sfence.sel $0xFFFF  }
0xc2: {  	[dreg:$0x0] =	wrdreg $0xFFFFFFFF;
	(pc) =	sbr.abs _section_cstart, $3  }
0xc3: {  	[dreg:$0x1] =	wrdreg $0xFFFFFFFF  }
0xc4: {  	_ =	task.clear_ibuf [dreg:s8], $0x2FFFF;
	_ =	strace $0x9FFFFFFF  }
0xc5: {  	(tm) =	ssettm $0x7FFFFFFF  }
tec
execute0_lowered:
.L_overlay_start_1:
0x0: {  	(tag) =	ssettag $0x1  }
0x1: {  	s0 =	rddreg [dreg:$0x0]  }
0x2: {  	s1 =	rddreg [dreg:$0x1]  }
0x3: {  	s3 =	srdreg.scid;
	s2 =	rddreg [dreg:$0x2]  }
0x4: {  	s10 =	stileid.u32;
	s6 =	simm.s32 $0x0;
	s12 =	simm.s32 $0x3800  }
0x5: {  	s13 =	simm.s32 $0x80;
	s14 =	simm.s32 $0x7800;
	s16 =	simm.s32 $0xB800  }
0x6: {  	s18 =	simm.s32 $0xF800;
	s28 =	simm.s32 $0x3;
	s30 =	simm.s32 $0x8  }
0x7: {  	s31 =	simm.s32 $0x6;
	s4 =	sand.u32 $0x1, s3;
	s3 =	rddreg [dreg:$0x3]  }
0x8: {  	s15 =	simm.s32 $0xB;
	s29 =	simm.s32 $0xC;
	[smem:$0x7FF] =	sst s6  }
0x9: {  	s8 =	sshll.u32 s10, $0xB;
	s23 =	sshll.u32 s10, $0xE;
	s5 =	sshll.u32 s4, $0x4  }
0xa: {  	_ =	strace $0x80000047;
	s22 =	ssub.s32 $0x2, s4;
	s5 =	sor.u32 s10, s5  }
0xb: {  	s4 =	sshll.u32 s4, $0xF;
	s9 =	sshrl.u32 s22, $0x1;
	s5 =	smul.u32 $0x380, s5  }
0xc: {  	s10 =	simm.s32 $0xD;
	s6 =	ssub.s32 s22, s9;
	s22 =	simm.s32 $0x17800  }
0xd: {  	s26 =	smax.u32 s6, $0x1;
	s6 =	simm.s32 $0x1C00;
	s7 =	sadd.s32 s5, s1  }
0xe: {  	s1 =	sadd.s32 s8, s1;
	s0 =	sadd.s32 s0, s5;
	[dreg:$0x9] =	wrdreg s26  }
0xf: {  	s8 =	simm.s32 $0x9;
	s26 =	simm.s32 $0xA;
	[dreg:$0x5] =	wrdreg s0  }
0x10: {  	s1 =	sadd.s32 s4, s1;
	s24 =	sadd.s32 $0x1C00, s7;
	s7 =	sadd.s32 s23, s3  }
0x11: {  	s23 =	simm.s32 $0x2;
	s0 =	simm.s32 $0x4;
	[dreg:$0x6] =	wrdreg s24  }
0x12: {  	s25 =	sadd.s32 $0x8C00, s1;
	s24 =	simm.s32 $0x1;
	[dreg:$0x7] =	wrdreg s7  }
0x13: {  	v0 =	vimm.f32 $0.0e+00;
	s1 =	simm.s32 $0x0;
	[dreg:$0x8] =	wrdreg s25;
	s25 =	simm.s32 $0x7  }
.LBB2_1:
0x14: {  	s4 =	simm.s32 $0x0;
	s5 =	rddreg [dreg:$0x5]  }
0x15: {  	[tilespmem:s4], [sflag:$0xD] =	stream.linear.gather [hbm4b:s5+s4], $0x1900, $0x38;
	[tilespmem:$0x1F800] =	vst v63  }
0x16: {  	_ =	swait.ge [sflag:s10], $0x1900  }
0x17: {  	[sflag:s10] =	ssyncset.done $0x0  }
0x18: {  	s21 =	rddreg [dreg:$0x6];
	[sflag:s10] =	ssyncadd.s32 $0xFFFFE700  }
0x19: {  	[tilespmem:s6], [sflag:$0xD] =	stream.linear.gather [hbm4b:s21+s4], $0x1900, $0x38;
	[tilespmem:$0x1F800] =	vst v63  }
0x1a: {  	_ =	swait.ge [sflag:s10], $0x1900  }
0x1b: {  	[sflag:s10] =	ssyncset.done $0x0  }
0x1c: {  	s5 =	simm.s32 $0x200;
	s4 =	simm.s32 $0x0;
	[sflag:s10] =	ssyncadd.s32 $0xFFFFE700  }
.LBB2_2:
0x1d: {  	p0 =	sne.s32 s5, $0xFE00;
	[tilespmem:s4+$0x3870] =	vst v0  }
0x1e: {  	[tilespmem:s4+$0x3800] =	vst v0  }
0x1f: {  	[tilespmem:s4+$0x3810] =	vst v0  }
.Ltmp0:
0x20: {  	[tilespmem:s4+$0x3820] =	vst v0;
	(pc) =	sbr.rel @p0 .LBB2_2-.Ltmp0, $4  }
0x21: {  	[tilespmem:s4+$0x3830] =	vst v0  }
0x22: {  	[tilespmem:s4+$0x3840] =	vst v0  }
0x23: {  	[tilespmem:s4+$0x3850] =	vst v0  }
0x24: {  	[tilespmem:s4+$0x3860] =	vst v0;
	s4 =	sshra.s32 s5, $0x2;
	s5 =	sadd.s32 $0x200, s5  }
0x25: {  	[tilespmem:s4+$0x3870] =	vst v0  }
0x26: {  	[tilespmem:s4+$0x3800] =	vst v0  }
0x27: {  	[tilespmem:s4+$0x3810] =	vst v0  }
0x28: {  	[tilespmem:s4+$0x3820] =	vst v0  }
0x29: {  	[tilespmem:s4+$0x3830] =	vst v0  }
0x2a: {  	[tilespmem:s4+$0x3840] =	vst v0  }
0x2b: {  	[tilespmem:s4+$0x3850] =	vst v0  }
0x2c: {  	[tilespmem:s4+$0x3860] =	vst v0  }
0x2d: {  	[spmem:s7] =	stream.linear.scatter [tilespmem:s12], [sflag:$0xD], $0x4000, $0x38;
	[tilespmem:$0x1F800] =	vst v63  }
0x2e: {  	_ =	swait.ge [sflag:s10], $0x4000  }
0x2f: {  	[sflag:s10] =	ssyncset.done $0x0  }
0x30: {  	s21 =	simm.s32 $0x0;
	[sflag:s10] =	ssyncadd.s32 $0xFFFFC000  }
0x31: {  	[tilespmem:s12], [sflag:$0x1] =	stream.indirect.gather [hbm4b:s2+s13], $0x80, s21, s13, $0xb8;
	[tilespmem:$0x1F800] =	vst v63  }
0x32: {  	_ = 	snop  }
0x33: {  	[tilespmem:s14], [sflag:$0x2] =	stream.indirect.gather [hbm4b:s2+s13], $0x80, s13, s13, $0xb8;
	[tilespmem:$0x1F800] =	vst v63  }
0x34: {  	s5 =	simm.s32 $0x100  }
0x35: {  	[tilespmem:s16], [sflag:$0x3] =	stream.indirect.gather [hbm4b:s2+s13], $0x80, s5, s13, $0xb8;
	[tilespmem:$0x1F800] =	vst v63  }
0x36: {  	s7 =	simm.s32 $0x180  }
0x37: {  	[tilespmem:s18], [sflag:$0x4] =	stream.indirect.gather [hbm4b:s2+s13], $0x80, s7, s13, $0xb8;
	[tilespmem:$0x1F800] =	vst v63  }
0x38: {  	s9 =	simm.s32 $0x200;
	s5 =	simm.s32 $0x13800  }
0x39: {  	[tilespmem:s5], [sflag:$0x5] =	stream.indirect.gather [hbm4b:s2+s13], $0x80, s9, s13, $0xb8;
	[tilespmem:$0x1F800] =	vst v63  }
0x3a: {  	s11 =	simm.s32 $0x280;
	s19 =	simm.s32 $0x1  }
0x3b: {  	[tilespmem:s22], [sflag:$0x6] =	stream.indirect.gather [hbm4b:s2+s13], $0x80, s11, s13, $0xb8;
	[tilespmem:$0x1F800] =	vst v63  }
0x3c: {  	_ =	swait.ge [sflag:s19], $0x4000  }
0x3d: {  	[sflag:s19] =	ssyncset.done $0x0  }
0x3e: {  	[sflag:s19] =	ssyncadd.s32 $0xFFFFC000  }
0x3f: {  	[spmem:s3] =	stream.indirect.scatter.add.f32 [tilespmem:s12], [sflag:$0x7], $0x80, s6, s13, $0xb8;
	[tilespmem:$0x1F800] =	vst v63  }
0x40: {  	_ =	swait.ge [sflag:s23], $0x4000  }
0x41: {  	[sflag:s23] =	ssyncset.done $0x0  }
0x42: {  	s17 =	simm.s32 $0x1C80;
	[sflag:s23] =	ssyncadd.s32 $0xFFFFC000  }
0x43: {  	[spmem:s3] =	stream.indirect.scatter.add.f32 [tilespmem:s14], [sflag:$0x8], $0x80, s17, s13, $0xb8;
	[tilespmem:$0x1F800] =	vst v63  }
0x44: {  	_ =	swait.ge [sflag:s25], $0x4000  }
0x45: {  	[sflag:s25] =	ssyncset.done $0x0  }
0x46: {  	s20 =	simm.s32 $0x300;
	[sflag:s25] =	ssyncadd.s32 $0xFFFFC000  }
0x47: {  	[tilespmem:s12], [sflag:$0x1] =	stream.indirect.gather [hbm4b:s2+s13], $0x80, s20, s13, $0xb8;
	[tilespmem:$0x1F800] =	vst v63  }
0x48: {  	_ =	swait.ge [sflag:s28], $0x4000  }
0x49: {  	[sflag:s28] =	ssyncset.done $0x0  }
0x4a: {  	s21 =	simm.s32 $0x1D00;
	[sflag:s28] =	ssyncadd.s32 $0xFFFFC000  }
0x4b: {  	[spmem:s3] =	stream.indirect.scatter.add.f32 [tilespmem:s16], [sflag:$0x9], $0x80, s21, s13, $0xb8;
	[tilespmem:$0x1F800] =	vst v63  }
0x4c: {  	_ =	swait.ge [sflag:s30], $0x4000  }
0x4d: {  	[sflag:s30] =	ssyncset.done $0x0  }
0x4e: {  	s6 =	simm.s32 $0x380;
	[sflag:s30] =	ssyncadd.s32 $0xFFFFC000  }
0x4f: {  	[tilespmem:s14], [sflag:$0x2] =	stream.indirect.gather [hbm4b:s2+s13], $0x80, s6, s13, $0xb8;
	[tilespmem:$0x1F800] =	vst v63  }
0x50: {  	_ =	swait.ge [sflag:s0], $0x4000  }
0x51: {  	[sflag:s0] =	ssyncset.done $0x0  }
0x52: {  	s7 =	simm.s32 $0x1D80;
	[sflag:s0] =	ssyncadd.s32 $0xFFFFC000  }
0x53: {  	[spmem:s3] =	stream.indirect.scatter.add.f32 [tilespmem:s18], [sflag:$0xA], $0x80, s7, s13, $0xb8;
	[tilespmem:$0x1F800] =	vst v63  }
0x54: {  	_ =	swait.ge [sflag:s8], $0x4000  }
0x55: {  	[sflag:s8] =	ssyncset.done $0x0  }
0x56: {  	s9 =	simm.s32 $0x5;
	[sflag:s8] =	ssyncadd.s32 $0xFFFFC000;
	s8 =	simm.s32 $0x400  }
0x57: {  	[tilespmem:s16], [sflag:$0x3] =	stream.indirect.gather [hbm4b:s2+s13], $0x80, s8, s13, $0xb8;
	[tilespmem:$0x1F800] =	vst v63  }
0x58: {  	_ =	swait.ge [sflag:s9], $0x4000  }
0x59: {  	[sflag:s9] =	ssyncset.done $0x0  }
0x5a: {  	s11 =	simm.s32 $0x1E00;
	[sflag:s9] =	ssyncadd.s32 $0xFFFFC000  }
0x5b: {  	[spmem:s3] =	stream.indirect.scatter.add.f32 [tilespmem:s5], [sflag:$0xB], $0x80, s11, s13, $0xb8;
	[tilespmem:$0x1F800] =	vst v63  }
0x5c: {  	_ =	swait.ge [sflag:s26], $0x4000  }
0x5d: {  	[sflag:s26] =	ssyncset.done $0x0  }
0x5e: {  	s17 =	simm.s32 $0x480;
	[sflag:s26] =	ssyncadd.s32 $0xFFFFC000  }
0x5f: {  	[tilespmem:s18], [sflag:$0x4] =	stream.indirect.gather [hbm4b:s2+s13], $0x80, s17, s13, $0xb8;
	[tilespmem:$0x1F800] =	vst v63  }
0x60: {  	_ =	swait.ge [sflag:s31], $0x4000  }
0x61: {  	[sflag:s31] =	ssyncset.done $0x0  }
0x62: {  	s20 =	simm.s32 $0x1E80;
	[sflag:s31] =	ssyncadd.s32 $0xFFFFC000  }
0x63: {  	[spmem:s3] =	stream.indirect.scatter.add.f32 [tilespmem:s22], [sflag:$0xC], $0x80, s20, s13, $0xb8;
	[tilespmem:$0x1F800] =	vst v63  }
0x64: {  	_ =	swait.ge [sflag:s15], $0x4000  }
0x65: {  	[sflag:s15] =	ssyncset.done $0x0  }
0x66: {  	s21 =	simm.s32 $0x500;
	[sflag:s15] =	ssyncadd.s32 $0xFFFFC000  }
0x67: {  	[tilespmem:s5], [sflag:$0x5] =	stream.indirect.gather [hbm4b:s2+s13], $0x80, s21, s13, $0xb8;
	[tilespmem:$0x1F800] =	vst v63  }
0x68: {  	_ =	swait.ge [sflag:s24], $0x4000  }
0x69: {  	[sflag:s24] =	ssyncset.done $0x0  }
0x6a: {  	s6 =	simm.s32 $0x1F00;
	[sflag:s24] =	ssyncadd.s32 $0xFFFFC000  }
0x6b: {  	[spmem:s3] =	stream.indirect.scatter.add.f32 [tilespmem:s12], [sflag:$0x7], $0x80, s6, s13, $0xb8;
	[tilespmem:$0x1F800] =	vst v63  }
0x6c: {  	_ =	swait.ge [sflag:s29], $0x4000  }
0x6d: {  	[sflag:s29] =	ssyncset.done $0x0  }
0x6e: {  	s7 =	simm.s32 $0x580;
	[sflag:s29] =	ssyncadd.s32 $0xFFFFC000  }
0x6f: {  	[tilespmem:s22], [sflag:$0x6] =	stream.indirect.gather [hbm4b:s2+s13], $0x80, s7, s13, $0xb8;
	[tilespmem:$0x1F800] =	vst v63  }
0x70: {  	_ =	swait.ge [sflag:s23], $0x4000  }
0x71: {  	[sflag:s23] =	ssyncset.done $0x0  }
0x72: {  	s8 =	simm.s32 $0x1F80;
	[sflag:s23] =	ssyncadd.s32 $0xFFFFC000  }
0x73: {  	[spmem:s3] =	stream.indirect.scatter.add.f32 [tilespmem:s14], [sflag:$0x8], $0x80, s8, s13, $0xb8;
	[tilespmem:$0x1F800] =	vst v63  }
0x74: {  	_ =	swait.ge [sflag:s25], $0x4000  }
0x75: {  	[sflag:s25] =	ssyncset.done $0x0  }
0x76: {  	s9 =	simm.s32 $0x600;
	[sflag:s25] =	ssyncadd.s32 $0xFFFFC000  }
0x77: {  	[tilespmem:s12], [sflag:$0x1] =	stream.indirect.gather [hbm4b:s2+s13], $0x80, s9, s13, $0xb8;
	[tilespmem:$0x1F800] =	vst v63  }
0x78: {  	_ =	swait.ge [sflag:s28], $0x4000  }
0x79: {  	[sflag:s28] =	ssyncset.done $0x0  }
0x7a: {  	s11 =	simm.s32 $0x2000;
	[sflag:s28] =	ssyncadd.s32 $0xFFFFC000  }
0x7b: {  	[spmem:s3] =	stream.indirect.scatter.add.f32 [tilespmem:s16], [sflag:$0x9], $0x80, s11, s13, $0xb8;
	[tilespmem:$0x1F800] =	vst v63  }
0x7c: {  	_ =	swait.ge [sflag:s30], $0x4000  }
0x7d: {  	[sflag:s30] =	ssyncset.done $0x0  }
0x7e: {  	s17 =	simm.s32 $0x680;
	[sflag:s30] =	ssyncadd.s32 $0xFFFFC000  }
0x7f: {  	[tilespmem:s14], [sflag:$0x2] =	stream.indirect.gather [hbm4b:s2+s13], $0x80, s17, s13, $0xb8;
	[tilespmem:$0x1F800] =	vst v63  }
0x80: {  	_ =	swait.ge [sflag:s0], $0x4000  }
0x81: {  	p1 =	por $0x0, $0x0;
	[sflag:s0] =	ssyncset.done $0x0  }
0x82: {  	s20 =	simm.s32 $0x2080;
	s5 =	simm.s32 @p1 $0x5;
	[sflag:s0] =	ssyncadd.s32 $0xFFFFC000  }
0x83: {  	[spmem:s3] =	stream.indirect.scatter.add.f32 [tilespmem:s18], [sflag:$0xA], $0x80, s20, s13, $0xb8;
	[tilespmem:$0x1F800] =	vst v63  }
0x84: {  	_ =	swait.ge @p1 [sflag:s5], $0x4000  }
0x85: {  	s4 =	simm.s32 @p1 $0x2100;
	s6 =	simm.s32 @p1 $0x80;
	[sflag:s5] =	ssyncset.done @p1 $0x0  }
0x86: {  	s8 =	simm.s32 @p1 $0x13800;
	[sflag:s5] =	ssyncadd.s32 @p1 $0xFFFFC000;
	s5 =	simm.s32 @!p1 $0x9  }
0x87: {  	[spmem:s3] =	stream.indirect.scatter.add.f32 @p1 [tilespmem:s8], [sflag:$0xB], $0x80, s4, s6, $0xb8;
	[tilespmem:$0x1F800] =	vst v63  }
0x88: {  	_ =	swait.ge @!p1 [sflag:s5], $0x4000  }
0x89: {  	s11 =	simm.s32 @!p1 $0x80;
	s4 =	simm.s32 @!p1 $0x700;
	[sflag:s5] =	ssyncset.done @!p1 $0x0  }
0x8a: {  	s6 =	simm.s32 @!p1 $0xB800;
	[sflag:s5] =	ssyncadd.s32 @!p1 $0xFFFFC000;
	s5 =	simm.s32 @!p1 $0x5  }
0x8b: {  	[tilespmem:s6], [sflag:$0x3] =	stream.indirect.gather @!p1 [hbm4b:s2+s11], $0x80, s4, s11, $0xb8;
	[tilespmem:$0x1F800] =	vst v63  }
0x8c: {  	_ =	swait.ge @!p1 [sflag:s5], $0x4000  }
0x8d: {  	s8 =	simm.s32 @!p1 $0x13800;
	[sflag:s5] =	ssyncset.done @!p1 $0x0  }
0x8e: {  	s4 =	simm.s32 @!p1 $0x2100;
	[sflag:s5] =	ssyncadd.s32 @!p1 $0xFFFFC000;
	s5 =	simm.s32 @!p1 $0xA  }
0x8f: {  	[spmem:s3] =	stream.indirect.scatter.add.f32 @!p1 [tilespmem:s8], [sflag:$0xB], $0x80, s4, s11, $0xb8;
	[tilespmem:$0x1F800] =	vst v63  }
0x90: {  	_ =	swait.ge @!p1 [sflag:s5], $0x4000  }
0x91: {  	[sflag:s5] =	ssyncset.done @!p1 $0x0  }
0x92: {  	s6 =	simm.s32 @!p1 $0xF800;
	s4 =	simm.s32 @!p1 $0x780;
	[sflag:s5] =	ssyncadd.s32 @!p1 $0xFFFFC000  }
0x93: {  	[tilespmem:s6], [sflag:$0x4] =	stream.indirect.gather @!p1 [hbm4b:s2+s11], $0x80, s4, s11, $0xb8;
	[tilespmem:$0x1F800] =	vst v63  }
0x94: {  	_ =	swait.ge [sflag:s31], $0x4000  }
0x95: {  	[sflag:s31] =	ssyncset.done $0x0  }
0x96: {  	s21 =	simm.s32 $0x2180;
	s5 =	simm.s32 @!p1 $0xB;
	[sflag:s31] =	ssyncadd.s32 $0xFFFFC000  }
0x97: {  	[spmem:s3] =	stream.indirect.scatter.add.f32 [tilespmem:s22], [sflag:$0xC], $0x80, s21, s13, $0xb8;
	[tilespmem:$0x1F800] =	vst v63  }
0x98: {  	_ =	swait.ge @!p1 [sflag:s5], $0x4000  }
0x99: {  	s9 =	simm.s32 @!p1 $0x800;
	s4 =	simm.s32 $0xC00;
	[sflag:s5] =	ssyncset.done @!p1 $0x0  }
.LBB2_4:
0x9a: {  	[sflag:s5] =	ssyncadd.s32 @!p1 $0xFFFFC000  }
0x9b: {  	s19 =	sadd.s32 $0x1, s19;
	s6 =	smov.u32 s4;
	s4 =	sadd.s32 $0xC00, s4  }
0x9c: {  	[tilespmem:s8], [sflag:$0x5] =	stream.indirect.gather @!p1 [hbm4b:s2+s11], $0x80, s9, s11, $0xb8;
	[tilespmem:$0x1F800] =	vst v63  }
0x9d: {  	s5 =	sshra.s32 s6, $0x2;
	p0 =	sne.s32 s4, $0x5400;
	_ =	swait.ge [sflag:s24], $0x4000  }
0x9e: {  	s8 =	sadd.s32 $0x1F00, s5;
	[sflag:s24] =	ssyncset.done $0x0  }
0x9f: {  	[sflag:s24] =	ssyncadd.s32 $0xFFFFC000  }
0xa0: {  	[spmem:s3] =	stream.indirect.scatter.add.f32 [tilespmem:s12], [sflag:$0x7], $0x80, s8, s13, $0xb8;
	[tilespmem:$0x1F800] =	vst v63  }
0xa1: {  	_ =	swait.ge [sflag:s29], $0x4000  }
0xa2: {  	s8 =	sadd.s32 $0x580, s5;
	[sflag:s29] =	ssyncset.done $0x0  }
0xa3: {  	[sflag:s29] =	ssyncadd.s32 $0xFFFFC000  }
0xa4: {  	[tilespmem:s22], [sflag:$0x6] =	stream.indirect.gather [hbm4b:s2+s13], $0x80, s8, s13, $0xb8;
	[tilespmem:$0x1F800] =	vst v63  }
0xa5: {  	_ =	swait.ge [sflag:s23], $0x4000  }
0xa6: {  	s8 =	sadd.s32 $0x1F80, s5;
	[sflag:s23] =	ssyncset.done $0x0  }
0xa7: {  	[sflag:s23] =	ssyncadd.s32 $0xFFFFC000  }
0xa8: {  	[spmem:s3] =	stream.indirect.scatter.add.f32 [tilespmem:s14], [sflag:$0x8], $0x80, s8, s13, $0xb8;
	[tilespmem:$0x1F800] =	vst v63  }
0xa9: {  	_ =	swait.ge [sflag:s25], $0x4000  }
0xaa: {  	s8 =	sadd.s32 $0x600, s5;
	[sflag:s25] =	ssyncset.done $0x0  }
0xab: {  	[sflag:s25] =	ssyncadd.s32 $0xFFFFC000  }
0xac: {  	[tilespmem:s12], [sflag:$0x1] =	stream.indirect.gather [hbm4b:s2+s13], $0x80, s8, s13, $0xb8;
	[tilespmem:$0x1F800] =	vst v63  }
0xad: {  	_ =	swait.ge [sflag:s28], $0x4000  }
0xae: {  	s8 =	sadd.s32 $0x2000, s5;
	[sflag:s28] =	ssyncset.done $0x0  }
0xaf: {  	[sflag:s28] =	ssyncadd.s32 $0xFFFFC000  }
0xb0: {  	[spmem:s3] =	stream.indirect.scatter.add.f32 [tilespmem:s16], [sflag:$0x9], $0x80, s8, s13, $0xb8;
	[tilespmem:$0x1F800] =	vst v63  }
0xb1: {  	_ =	swait.ge [sflag:s30], $0x4000  }
0xb2: {  	s8 =	sadd.s32 $0x680, s5;
	[sflag:s30] =	ssyncset.done $0x0  }
0xb3: {  	[sflag:s30] =	ssyncadd.s32 $0xFFFFC000  }
0xb4: {  	[tilespmem:s14], [sflag:$0x2] =	stream.indirect.gather [hbm4b:s2+s13], $0x80, s8, s13, $0xb8;
	[tilespmem:$0x1F800] =	vst v63  }
0xb5: {  	_ =	swait.ge [sflag:s0], $0x4000  }
0xb6: {  	p1 =	sgt.u32 s19, $0x6;
	s8 =	sadd.s32 $0x2080, s5;
	[sflag:s0] =	ssyncset.done $0x0  }
0xb7: {  	s9 =	simm.s32 @p1 $0x5;
	s11 =	sshra.s32 @p1 s6, $0x2;
	[sflag:s0] =	ssyncadd.s32 $0xFFFFC000  }
0xb8: {  	[spmem:s3] =	stream.indirect.scatter.add.f32 [tilespmem:s18], [sflag:$0xA], $0x80, s8, s13, $0xb8;
	[tilespmem:$0x1F800] =	vst v63  }
0xb9: {  	s6 =	sshra.s32 @!p1 s6, $0x2;
	s8 =	sadd.s32 @p1 $0x2100, s11;
	_ =	swait.ge @p1 [sflag:s9], $0x4000  }
0xba: {  	s20 =	simm.s32 @p1 $0x13800;
	s11 =	simm.s32 @p1 $0x80;
	[sflag:s9] =	ssyncset.done @p1 $0x0  }
0xbb: {  	s21 =	sadd.s32 @!p1 $0x700, s6;
	[sflag:s9] =	ssyncadd.s32 @p1 $0xFFFFC000;
	s9 =	simm.s32 @!p1 $0x9  }
0xbc: {  	[spmem:s3] =	stream.indirect.scatter.add.f32 @p1 [tilespmem:s20], [sflag:$0xB], $0x80, s8, s11, $0xb8;
	[tilespmem:$0x1F800] =	vst v63  }
0xbd: {  	s7 =	sadd.s32 @!p1 $0x780, s6;
	s20 =	sadd.s32 @!p1 $0x2100, s6;
	_ =	swait.ge @!p1 [sflag:s9], $0x4000  }
0xbe: {  	s11 =	simm.s32 @!p1 $0x80;
	s8 =	simm.s32 @!p1 $0xB800;
	[sflag:s9] =	ssyncset.done @!p1 $0x0  }
0xbf: {  	s17 =	simm.s32 @!p1 $0x5;
	[sflag:s9] =	ssyncadd.s32 @!p1 $0xFFFFC000;
	s9 =	sadd.s32 @!p1 $0x800, s6  }
0xc0: {  	[tilespmem:s8], [sflag:$0x3] =	stream.indirect.gather @!p1 [hbm4b:s2+s11], $0x80, s21, s11, $0xb8;
	[tilespmem:$0x1F800] =	vst v63  }
0xc1: {  	_ =	swait.ge @!p1 [sflag:s17], $0x4000  }
0xc2: {  	s8 =	simm.s32 @!p1 $0x13800;
	[sflag:s17] =	ssyncset.done @!p1 $0x0  }
0xc3: {  	s6 =	simm.s32 @!p1 $0xA;
	[sflag:s17] =	ssyncadd.s32 @!p1 $0xFFFFC000  }
0xc4: {  	[spmem:s3] =	stream.indirect.scatter.add.f32 @!p1 [tilespmem:s8], [sflag:$0xB], $0x80, s20, s11, $0xb8;
	[tilespmem:$0x1F800] =	vst v63  }
0xc5: {  	_ =	swait.ge @!p1 [sflag:s6], $0x4000  }
0xc6: {  	s17 =	simm.s32 @!p1 $0xF800;
	[sflag:s6] =	ssyncset.done @!p1 $0x0  }
0xc7: {  	[sflag:s6] =	ssyncadd.s32 @!p1 $0xFFFFC000  }
0xc8: {  	[tilespmem:s17], [sflag:$0x4] =	stream.indirect.gather @!p1 [hbm4b:s2+s11], $0x80, s7, s11, $0xb8;
	[tilespmem:$0x1F800] =	vst v63  }
0xc9: {  	_ =	swait.ge [sflag:s31], $0x4000  }
.Ltmp1:
0xca: {  	s6 =	sadd.s32 $0x2180, s5;
	[sflag:s31] =	ssyncset.done $0x0;
	(pc) =	sbr.rel @p0 .LBB2_4-.Ltmp1, $4  }
0xcb: {  	s5 =	simm.s32 @!p1 $0xB;
	[sflag:s31] =	ssyncadd.s32 $0xFFFFC000  }
0xcc: {  	[spmem:s3] =	stream.indirect.scatter.add.f32 [tilespmem:s22], [sflag:$0xC], $0x80, s6, s13, $0xb8;
	[tilespmem:$0x1F800] =	vst v63  }
0xcd: {  	_ =	swait.ge @!p1 [sflag:s5], $0x4000  }
0xce: {  	[sflag:s5] =	ssyncset.done @!p1 $0x0  }
0xcf: {  	[sflag:s5] =	ssyncadd.s32 @!p1 $0xFFFFC000  }
0xd0: {  	[tilespmem:s8], [sflag:$0x5] =	stream.indirect.gather @!p1 [hbm4b:s2+s11], $0x80, s9, s11, $0xb8;
	[tilespmem:$0x1F800] =	vst v63  }
0xd1: {  	_ =	swait.ge [sflag:s24], $0x4000  }
0xd2: {  	[sflag:s24] =	ssyncset.done $0x0  }
0xd3: {  	s4 =	simm.s32 $0x3400;
	[sflag:s24] =	ssyncadd.s32 $0xFFFFC000  }
0xd4: {  	[spmem:s3] =	stream.indirect.scatter.add.f32 [tilespmem:s12], [sflag:$0x7], $0x80, s4, s13, $0xb8;
	[tilespmem:$0x1F800] =	vst v63  }
0xd5: {  	_ =	swait.ge [sflag:s23], $0x4000  }
0xd6: {  	[sflag:s23] =	ssyncset.done $0x0  }
0xd7: {  	s17 =	simm.s32 $0x3480;
	[sflag:s23] =	ssyncadd.s32 $0xFFFFC000  }
0xd8: {  	[spmem:s3] =	stream.indirect.scatter.add.f32 [tilespmem:s14], [sflag:$0x8], $0x80, s17, s13, $0xb8;
	[tilespmem:$0x1F800] =	vst v63  }
0xd9: {  	_ =	swait.ge [sflag:s25], $0x4000  }
0xda: {  	[sflag:s25] =	ssyncset.done $0x0  }
0xdb: {  	[sflag:s25] =	ssyncadd.s32 $0xFFFFC000  }
0xdc: {  	_ =	swait.ge [sflag:s30], $0x4000  }
0xdd: {  	[sflag:s30] =	ssyncset.done $0x0  }
0xde: {  	s8 =	simm.s32 $0x9;
	[sflag:s30] =	ssyncadd.s32 $0xFFFFC000  }
0xdf: {  	_ =	swait.ge [sflag:s8], $0x4000  }
0xe0: {  	[sflag:s8] =	ssyncset.done $0x0  }
0xe1: {  	[sflag:s8] =	ssyncadd.s32 $0xFFFFC000  }
0xe2: {  	_ =	swait.ge [sflag:s26], $0x4000  }
0xe3: {  	[sflag:s26] =	ssyncset.done $0x0  }
0xe4: {  	[sflag:s26] =	ssyncadd.s32 $0xFFFFC000  }
0xe5: {  	_ =	swait.ge [sflag:s15], $0x4000  }
0xe6: {  	[sflag:s15] =	ssyncset.done $0x0  }
0xe7: {  	s19 =	stileid.u32;
	[sflag:s15] =	ssyncadd.s32 $0xFFFFC000  }
0xe8: {  	s4 =	sshll.u32 s19, $0x6;
	_ =	swait.ge [sflag:s29], $0x4000  }
0xe9: {  	s4 =	sor.u32 $0x1C0D, s4;
	[sflag:s29] =	ssyncset.done $0x0;
	s7 =	rddreg [dreg:$0x7]  }
0xea: {  	s6 =	rddreg [dreg:$0x8];
	[sflag:s29] =	ssyncadd.s32 $0xFFFFC000;
	s20 =	sshrl.u32 s7, $0x3  }
0xeb: {  	[hbm:s6], [sflag:s4] =	dma.local [spmem:s20], $0x800  }
0xec: {  	_ =	swait.ge [sflag:s10], $0x800  }
0xed: {  	s1 =	sadd.s32 $0x1, s1;
	s21 =	rddreg [dreg:$0x9]  }
0xee: {  	p0 =	sne.s32 s1, s21  }
.Ltmp2:
0xef: {  	_ = 	snop;
	(pc) =	sbr.rel @p0 .LBB2_1-.Ltmp2, $3  }
0xf0: {  	_ =	sdelay $0x1  }
0xf1: {  	[sflag:s10] =	ssyncset.done $0x0  }
0xf2: {  	s6 =	simm.s32 $0x1C00;
	[sflag:s10] =	ssyncadd.s32 $0xFFFFF800  }
0xf3: {  	_ =	sfence.sel $0x180000  }
0xf4: {  	[bflag:$0x0] =	sbarrier.arrive $0xFFFF  }
0xf5: {  	_ =	strace $0x90000047  }
0xf6: {  	s0 =	stileid.u32;
	[bflag:$0x2] =	sbarrier.arrive $0xFFFF  }
0xf7: {  	p0 =	sne.s32 s0, $0x0;
	s0 =	rddreg [dreg:$0x4]  }
0xf8: {  	s0 =	sadd.s32 @!p0 $0x100000, s0  }
0xf9: {  	[sflag:s0] =	ssyncadd.tile.s32 @!p0 $0x1;
	_ =	shalt  }
.Lfunc_end2:
_tile_overlayer_lowered:
.L_overlay_start_2:
0xfa: {  	(tag) =	ssettag $0x2  }
0xfb: {  	s0 =	rddreg [dreg:$0x0];
	s2 =	stileid.u32  }
0xfc: {  	s1 =	rddreg [dreg:$0x1];
	p0 =	sne.s32 s2, $0x0  }
0xfd: {  	s3 =	rddreg [dreg:$0x2];
	[bflag:$0x3] =	sbarrier.arrive $0xFFFF;
	s2 =	simm.s32 @!p0 $0x1C0D  }
0xfe: {  	[timem:s3], [sflag:s2] =	dma.local @!p0 [hbm:s0], s1  }
0xff: {  	s0 =	simm.s32 @!p0 $0xD  }
0x100: {  	_ =	swait.ge @!p0 [sflag:s0], s1  }
0x101: {  	s1 =	ssub.s32 @!p0 $0x0, s1;
	[sflag:s0] =	ssyncset.done @!p0 $0x0  }
0x102: {  	[sflag:s0] =	ssyncadd.s32 @!p0 s1  }
0x103: {  	[bflag:$0x3] =	sbarrier.arrive $0xFFFF  }
0x104: {  	_ =	shalt  }

</sc_bundles>
